<compile_context>
chip_gen: v7x
topology: tpu7x:2x2x1
jax: 0.10.2.dev20260603
libtpu: 0.0.44.dev20260713+nightly
codegen_flags: <defaults>
</compile_context>

<pallas_src>
import jax
import jax.numpy as jnp
import numpy as np
from jax import lax
from jax.experimental import pallas as pl
from jax.experimental.pallas import tpu as pltpu
from jax.experimental.pallas import tpu_sc as plsc

B = 8
V = 100000
S = 1024 * 1024

NC = 2
NS = 16
L = 16
NW = NC * NS

Q = V // 4
SEGLO = Q // L

LOG2M = 14
M = 1 << LOG2M
UNITS = (B * S) // NW // (8 * L)

_C1 = np.int32(-372640083)
_C2 = np.int32(1935933847)
_GOLD = np.int32(-1640531527)


def _mix(x):
    x = x + _GOLD
    x = x ^ lax.shift_right_logical(x, 16)
    x = x * _C1
    x = x ^ lax.shift_right_logical(x, 15)
    x = x * _C2
    x = x ^ lax.shift_right_logical(x, 15)
    return x


def _sc_body(x_hbm, out_hbm, xq, table, tmpa, tmpb, tmpc, accbuf, qtbuf,
             sh_tot, sh_tab):
    cid = lax.axis_index("c")
    sid = lax.axis_index("s")
    w = cid * NS + sid
    grp = sid // 4
    q = sid % 4
    lane = lax.iota(jnp.int32, L)
    zf = jnp.zeros((L,), jnp.float32)
    zi = jnp.zeros((L,), jnp.int32)

    pltpu.sync_copy(x_hbm.at[(cid * 4 + grp) * 4 + q], xq)

    baseL = lane * SEGLO + jnp.minimum(lane, 8)
    tailmask = lane < 8

    @plsc.parallel_loop(0, M // L, unroll=4)
    def _z(k):
        table[pl.ds(k * L, L)] = zi

    @plsc.parallel_loop(0, SEGLO, unroll=11, carry=zf)
    def p1(k, a):
        return a + plsc.load_gather(xq, [baseL + k])

    tail = plsc.load_gather(xq, [jnp.minimum(baseL + SEGLO, Q - 1)])
    sL = p1 + jnp.where(tailmask, tail, 0.0)

    cL = plsc.cumsum(sL)
    offL = cL - sL
    qtot = jnp.max(cL)

    qtbuf[...] = zf + qtot
    pltpu.sync_copy(qtbuf, sh_tot.at[w])
    plsc.subcore_barrier()

    gbase = w - q
    tot = zf
    qoff = zf
    for t in range(4):
        pltpu.sync_copy(sh_tot.at[gbase + t], qtbuf)
        v = qtbuf[...]
        tot = tot + v
        qoff = qoff + jnp.where(jnp.int32(t) < q, v, 0.0)

    scale = jnp.full((L,), float(M), jnp.float32) / tot

    start = offL + qoff

    @plsc.parallel_loop(0, SEGLO, unroll=11, carry=start)
    def p2(k, a):
        a = a + plsc.load_gather(xq, [baseL + k])
        bb = jnp.minimum((a * scale).astype(jnp.int32), M - 1)
        plsc.store_scatter(table, [bb], baseL + k + 1)
        return a

    a_t = p2 + jnp.where(tailmask, tail, 0.0)
    b_t = jnp.minimum((a_t * scale).astype(jnp.int32), M - 1)
    plsc.store_scatter(table, [b_t], baseL + SEGLO + 1, mask=tailmask)

    @plsc.parallel_loop(0, M // L, unroll=4, carry=zi)
    def fillx(r, run):
        v = table[pl.ds(r * L, L)]
        table[pl.ds(r * L, L)] = jnp.maximum(plsc.cummax(v), run)
        return jnp.maximum(run, zi + jnp.max(v))

    pltpu.sync_copy(table, sh_tab.at[w])
    plsc.subcore_barrier()
    vcap = zi + (V - 1)
    for j, tmp in enumerate((tmpa, tmpb, tmpc)):
        src = gbase + lax.rem(q + (j + 1), 4)
        pltpu.sync_copy(sh_tab.at[src], tmp)

    @plsc.parallel_loop(0, M // L, unroll=4)
    def merge(r):
        s = pl.ds(r * L, L)
        tsum = ((table[s] + tmpa[s]) + (tmpb[s] + tmpc[s]))
        table[s] = jnp.minimum(tsum, vcap)

    base = w * UNITS * L
    mask14 = jnp.int32(M - 1)

    @plsc.parallel_loop(0, UNITS, unroll=4, carry=zi)
    def acc(u, a):
        h = _mix(base + u * L + lane)
        hs = (h, h * _C1, h * _C2, (h * _C1) * _C2)
        ps = []
        for hw in hs:
            g_hi = lax.shift_right_logical(hw, 32 - LOG2M)
            g_lo = lax.shift_right_logical(hw, 2) & mask14
            ps.append(plsc.load_gather(table, [g_hi]))
            ps.append(plsc.load_gather(table, [g_lo]))
        return a + (((ps[0] + ps[1]) + (ps[2] + ps[3]))
                    + ((ps[4] + ps[5]) + (ps[6] + ps[7])))

    accbuf[...] = acc
    pltpu.sync_copy(accbuf, out_hbm.at[w])


@jax.jit
def _sc_sample(x):
    call = pl.kernel(
        _sc_body,
        out_type=jax.ShapeDtypeStruct((NW, L), jnp.int32),
        mesh=plsc.VectorSubcoreMesh(core_axis_name="c", subcore_axis_name="s"),
        compiler_params=pltpu.CompilerParams(needs_layout_passes=False),
        scratch_types=[
            pltpu.VMEM((Q,), jnp.float32),
            pltpu.VMEM((M,), jnp.int32),
            pltpu.VMEM((M,), jnp.int32),
            pltpu.VMEM((M,), jnp.int32),
            pltpu.VMEM((M,), jnp.int32),
            pltpu.VMEM((L,), jnp.int32),
            pltpu.VMEM((L,), jnp.float32),
            pltpu.VMEM_SHARED((NW, L), jnp.float32),
            pltpu.VMEM_SHARED((NW, M), jnp.int32),
        ],
    )
    return call(x.reshape(NW, Q))


def kernel(x):
    parts = _sc_sample(x)
    total = jnp.sum(parts.astype(jnp.float32))
    return (total / jnp.float32(B * S)).astype(jnp.float32)

# --- scband reference (transcript-rebuilt; emitter-appended) ---
"""Pipeline reference for scband-multinomial-module2-d-21363167330438 (READ-ONLY COPY).

The authoritative reference and input builder live on the scoring server;
editing this copy changes nothing except your own understanding.
"""

import jax, jax.numpy as jnp
import numpy as np

NUM_SAMPLES = 1024 * 1024

def setup_inputs(seed: int = 0) -> dict:
    key = jax.random.key(seed)
    # torch module annotates float64; schema only allows float32, so we use float32 weights.
    x = jax.random.uniform(key, (8, 100000), dtype=jnp.float32)
    return {"x": x}

def reference(x):
    # Faithful translation of torch.ops.aten.multinomial(x, 1024*1024, replacement=True)
    # followed by a.mean(dtype=torch.double).
    # Multinomial-with-replacement via inverse-CDF sampling: per-row cumulative sum of
    # the (unnormalized) weights, draw uniforms scaled by the row total, searchsorted.
    B, V = x.shape
    cdf = jnp.cumsum(x, axis=-1)            # [B, V]
    total = cdf[:, -1:]                     # [B, 1] (unnormalized weights allowed, like torch)
    skey = jax.random.key(42)
    u = jax.random.uniform(skey, (B, NUM_SAMPLES), dtype=x.dtype) * total  # [B, S]
    idx = jax.vmap(lambda c, uu: jnp.searchsorted(c, uu, side='right'))(cdf, u)  # [B, S] int
    idx = jnp.clip(idx, 0, V - 1)
    # torch returns mean in float64; use float32 (highest float precision enabled by default in jax CPU without x64 flag).
    return idx.astype(jnp.float32).mean()

if __name__ == "__main__":
    import jax
    _d = setup_inputs()
    print(jax.jit(kernel)(*tuple(_d.values())))

</pallas_src>

<mosaic_0001>
#map = affine_map<(d0, d1) -> (0, 0)>
module attributes {stable_mosaic.version = 14 : i64} {
  func.func @_sc_body(%arg0: i32, %arg1: i32, %arg2: memref<32x25000xf32, #tpu.memory_space<hbm>>, %arg3: memref<32x16xi32, #tpu.memory_space<hbm>>, %arg4: memref<25000xf32, #tpu.memory_space<vmem>>, %arg5: memref<16384xi32, #tpu.memory_space<vmem>>, %arg6: memref<16384xi32, #tpu.memory_space<vmem>>, %arg7: memref<16384xi32, #tpu.memory_space<vmem>>, %arg8: memref<16384xi32, #tpu.memory_space<vmem>>, %arg9: memref<16xi32, #tpu.memory_space<vmem>>, %arg10: memref<16xf32, #tpu.memory_space<vmem>>, %arg11: memref<32x16xf32, #tpu.memory_space<vmem_shared>>, %arg12: memref<32x16384xi32, #tpu.memory_space<vmem_shared>>) attributes {dimension_semantics = [#tpu.dimension_semantics<core_parallel>, #tpu.dimension_semantics<subcore_parallel>], iteration_bounds = array<i64: 2, 16>, scalar_prefetch = 0 : i64, scratch_operands = 9 : i64, tpu.core_type = #tpu.core_type<sc_vector_subcore>, window_params = [{transform_indices = #map}, {transform_indices = #map}]} {
    %mul3A = arith.constant 16 : i32
    %mul3A_0 = arith.muli %arg0, %mul3A : i32
    %add3A = arith.addi %mul3A_0, %arg1 : i32
    %jit3A = arith.constant 4 : i32
    %div3A = arith.divsi %arg1, %jit3A : i32
    %sign3A = arith.constant 0 : i32
    %sign3A_1 = arith.cmpi sgt, %arg1, %sign3A : i32
    %sign3A_2 = arith.extui %sign3A_1 : i1 to i32
    %sign3A_3 = arith.constant 0 : i32
    %sign3A_4 = arith.cmpi slt, %arg1, %sign3A_3 : i32
    %sign3A_5 = arith.extui %sign3A_4 : i1 to i32
    %sign3A_6 = arith.subi %sign3A_2, %sign3A_5 : i32
    %sign3A_7 = arith.constant 0 : i32
    %sign3A_8 = arith.cmpi sgt, %jit3A, %sign3A_7 : i32
    %sign3A_9 = arith.extui %sign3A_8 : i1 to i32
    %sign3A_10 = arith.constant 0 : i32
    %sign3A_11 = arith.cmpi slt, %jit3A, %sign3A_10 : i32
    %sign3A_12 = arith.extui %sign3A_11 : i1 to i32
    %sign3A_13 = arith.subi %sign3A_9, %sign3A_12 : i32
    %ne3A = arith.cmpi ne, %sign3A_6, %sign3A_13 : i32
    %rem3A = arith.remsi %arg1, %jit3A : i32
    %ne3A_14 = arith.constant 0 : i32
    %ne3A_15 = arith.cmpi ne, %rem3A, %ne3A_14 : i32
    %and3A = arith.andi %ne3A, %ne3A_15 : i1
    %sub3A = arith.constant 1 : i32
    %sub3A_16 = arith.subi %div3A, %sub3A : i32
    %select_n3A = arith.select %and3A, %sub3A_16, %div3A : i32
    %jit3A_17 = arith.constant 4 : i32
    %eq3A = arith.constant 0 : i32
    %eq3A_18 = arith.cmpi eq, %jit3A_17, %eq3A : i32
    %jit3A_19 = arith.constant 1 : i32
    %select_n3A_20 = arith.select %eq3A_18, %jit3A_19, %jit3A_17 : i32
    %rem3A_21 = arith.remsi %arg1, %select_n3A_20 : i32
    %ne3A_22 = arith.constant 0 : i32
    %ne3A_23 = arith.cmpi ne, %rem3A_21, %ne3A_22 : i32
    %lt3A = arith.constant 0 : i32
    %lt3A_24 = arith.cmpi slt, %rem3A_21, %lt3A : i32
    %lt3A_25 = arith.constant 0 : i32
    %lt3A_26 = arith.cmpi slt, %select_n3A_20, %lt3A_25 : i32
    %ne3A_27 = arith.xori %lt3A_24, %lt3A_26 : i1
    %and3A_28 = arith.andi %ne3A_27, %ne3A_23 : i1
    %add3A_29 = arith.addi %rem3A_21, %select_n3A_20 : i32
    %select_n3A_30 = arith.select %and3A_28, %add3A_29, %rem3A_21 : i32
    %iota3A = tpu.iota {dimensions = array<i32: 0>} : vector<16xi32>
    %broadcast_in_dim3A = arith.constant 0.000000e+00 : f32
    %broadcast_in_dim3A_31 = vector.broadcast %broadcast_in_dim3A : f32 to vector<16xf32>
    %broadcast_in_dim3A_32 = arith.constant 0 : i32
    %broadcast_in_dim3A_33 = vector.broadcast %broadcast_in_dim3A_32 : i32 to vector<16xi32>
    %mul3A_34 = arith.constant 4 : i32
    %mul3A_35 = arith.muli %arg0, %mul3A_34 : i32
    %add3A_36 = arith.addi %mul3A_35, %select_n3A : i32
    %mul3A_37 = arith.constant 4 : i32
    %mul3A_38 = arith.muli %add3A_36, %mul3A_37 : i32
    %add3A_39 = arith.addi %mul3A_38, %select_n3A_30 : i32
    "tpu.region"() ({
      %run_scoped3A = tpu.sem_alloc : memref<!tpu.dma_semaphore, #tpu.memory_space<semaphore_mem>>
      %dma_start3A = arith.constant 0 : i32
      %dma_start3A_177 = tpu.memref_slice %arg2[%add3A_39, %dma_start3A] : memref<32x25000xf32, #tpu.memory_space<hbm>> -> memref<1x25000xf32, #tpu.memory_space<hbm>>
      %dma_start3A_178 = tpu.memref_squeeze %dma_start3A_177 : memref<1x25000xf32, #tpu.memory_space<hbm>> -> memref<25000xf32, #tpu.memory_space<hbm>>
      %dma_start3A_179 = arith.constant 0 : i32
      %dma_start3A_180 = tpu.memref_slice %arg2[%add3A_39, %dma_start3A_179] : memref<32x25000xf32, #tpu.memory_space<hbm>> -> memref<1x25000xf32, #tpu.memory_space<hbm>>
      %dma_start3A_181 = tpu.memref_squeeze %dma_start3A_180 : memref<1x25000xf32, #tpu.memory_space<hbm>> -> memref<25000xf32, #tpu.memory_space<hbm>>
      tpu.enqueue_dma source(%dma_start3A_181 : memref<25000xf32, #tpu.memory_space<hbm>>) target(%arg4 : memref<25000xf32, #tpu.memory_space<vmem>>) target_semaphore(%run_scoped3A : memref<!tpu.dma_semaphore, #tpu.memory_space<semaphore_mem>>)
      %dma_wait3A = arith.constant 0 : i32
      %dma_wait3A_182 = tpu.memref_slice %arg2[%add3A_39, %dma_wait3A] : memref<32x25000xf32, #tpu.memory_space<hbm>> -> memref<1x25000xf32, #tpu.memory_space<hbm>>
      %dma_wait3A_183 = tpu.memref_squeeze %dma_wait3A_182 : memref<1x25000xf32, #tpu.memory_space<hbm>> -> memref<25000xf32, #tpu.memory_space<hbm>>
      %dma_wait3A_184 = arith.constant 0 : i32
      %dma_wait3A_185 = tpu.memref_slice %arg2[%add3A_39, %dma_wait3A_184] : memref<32x25000xf32, #tpu.memory_space<hbm>> -> memref<1x25000xf32, #tpu.memory_space<hbm>>
      %dma_wait3A_186 = tpu.memref_squeeze %dma_wait3A_185 : memref<1x25000xf32, #tpu.memory_space<hbm>> -> memref<25000xf32, #tpu.memory_space<hbm>>
      tpu.wait_dma2 semaphore(%run_scoped3A : memref<!tpu.dma_semaphore, #tpu.memory_space<semaphore_mem>>) src(%dma_wait3A_186 : memref<25000xf32, #tpu.memory_space<hbm>>) dst(%arg4 : memref<25000xf32, #tpu.memory_space<vmem>>)
      tpu.yield
    }) : () -> ()
    %mul3A_40 = arith.constant 1562 : i32
    %mul3A_41 = vector.broadcast %mul3A_40 : i32 to vector<16xi32>
    %mul3A_42 = arith.muli %iota3A, %mul3A_41 : vector<16xi32>
    %min3A = arith.constant 8 : i32
    %min3A_43 = vector.broadcast %min3A : i32 to vector<16xi32>
    %min3A_44 = arith.minsi %iota3A, %min3A_43 : vector<16xi32>
    %add3A_45 = arith.addi %mul3A_42, %min3A_44 : vector<16xi32>
    %lt3A_46 = arith.constant 8 : i32
    %lt3A_47 = vector.broadcast %lt3A_46 : i32 to vector<16xi32>
    %lt3A_48 = arith.cmpi slt, %iota3A, %lt3A_47 : vector<16xi32>
    %parallel_loop3A = arith.constant 0 : i32
    %parallel_loop3A_49 = arith.constant 1024 : i32
    %parallel_loop3A_50 = arith.constant 1 : i32
    scf.for %parallel_loop3A_177 = %parallel_loop3A to %parallel_loop3A_49 step %parallel_loop3A_50  : i32 {
      %parallel_loop3A_178 = arith.constant 16 : i32
      %parallel_loop3A_179 = arith.muli %parallel_loop3A_177, %parallel_loop3A_178 : i32
      %parallel_loop3A_180 = arith.index_cast %parallel_loop3A_179 : i32 to index
      %parallel_loop3A_181 = tpu.vector_load %arg5[%parallel_loop3A_180] {strides = array<i32>} : memref<16384xi32, #tpu.memory_space<vmem>>, vector<16xi32>,
      tpu.vector_store %arg5[%parallel_loop3A_180], %broadcast_in_dim3A_33 {strides = array<i32>} : memref<16384xi32, #tpu.memory_space<vmem>>, vector<16xi32>,
    } {sc.loop_unroll_factor = 4 : i64, sc.parallel_access}
    %parallel_loop3A_51 = arith.constant 0 : i32
    %parallel_loop3A_52 = arith.constant 1562 : i32
    %parallel_loop3A_53 = arith.constant 1 : i32
    %parallel_loop3A_54 = scf.for %parallel_loop3A_177 = %parallel_loop3A_51 to %parallel_loop3A_52 step %parallel_loop3A_53 iter_args(%parallel_loop3A_178 = %broadcast_in_dim3A_31) -> (vector<16xf32>)  : i32 {
      %parallel_loop3A_179 = vector.broadcast %parallel_loop3A_177 : i32 to vector<16xi32>
      %parallel_loop3A_180 = arith.addi %add3A_45, %parallel_loop3A_179 : vector<16xi32>
      %parallel_loop3A_181 = tpu.vector_load_idx %arg4[%parallel_loop3A_180] : memref<25000xf32, #tpu.memory_space<vmem>>[vector<16xi32>], vector<16xf32>,
      %parallel_loop3A_182 = arith.addf %parallel_loop3A_178, %parallel_loop3A_181 : vector<16xf32>
      scf.yield %parallel_loop3A_182 : vector<16xf32>
    } {sc.loop_unroll_factor = 11 : i64, sc.parallel_access}
    %add3A_55 = arith.constant 1562 : i32
    %add3A_56 = vector.broadcast %add3A_55 : i32 to vector<16xi32>
    %add3A_57 = arith.addi %add3A_45, %add3A_56 : vector<16xi32>
    %min3A_58 = arith.constant 24999 : i32
    %min3A_59 = vector.broadcast %min3A_58 : i32 to vector<16xi32>
    %min3A_60 = arith.minsi %add3A_57, %min3A_59 : vector<16xi32>
    %gather3A = tpu.vector_load_idx %arg4[%min3A_60] : memref<25000xf32, #tpu.memory_space<vmem>>[vector<16xi32>], vector<16xf32>,
    %jit3A_61 = arith.constant 0.000000e+00 : f32
    %broadcast_in_dim3A_62 = vector.broadcast %jit3A_61 : f32 to vector<16xf32>
    %select_n3A_63 = arith.select %lt3A_48, %gather3A, %broadcast_in_dim3A_62 : vector<16xi1>, vector<16xf32>
    %add3A_64 = arith.addf %parallel_loop3A_54, %select_n3A_63 : vector<16xf32>
    %broadcast_in_dim3A_65 = arith.constant true
    %broadcast_in_dim3A_66 = vector.broadcast %broadcast_in_dim3A_65 : i1 to vector<16xi1>
    %masked_cumsum3A = tpu.scan <sum>, %add3A_64 masked %broadcast_in_dim3A_66 : vector<16xf32>, vector<16xi1> -> vector<16xf32>
    %sub3A_67 = arith.subf %masked_cumsum3A, %add3A_64 : vector<16xf32>
    %reduce_max3A = arith.constant true
    %reduce_max3A_68 = vector.broadcast %reduce_max3A : i1 to vector<16xi1>
    %reduce_max3A_69 = tpu.scan <max>, %masked_cumsum3A masked %reduce_max3A_68 : vector<16xf32>, vector<16xi1> -> vector<16xf32>
    %reduce_max3A_70 = vector.extract %reduce_max3A_69[15] : f32 from vector<16xf32>
    %add3A_71 = vector.broadcast %reduce_max3A_70 : f32 to vector<16xf32>
    %add3A_72 = arith.addf %broadcast_in_dim3A_31, %add3A_71 : vector<16xf32>
    %swap3A = arith.constant 0 : index
    %swap3A_73 = tpu.vector_load %arg10[%swap3A] {strides = array<i32>} : memref<16xf32, #tpu.memory_space<vmem>>, vector<16xf32>,
    tpu.vector_store %arg10[%swap3A], %add3A_72 {strides = array<i32>} : memref<16xf32, #tpu.memory_space<vmem>>, vector<16xf32>,
    "tpu.region"() ({
      %run_scoped3A = tpu.sem_alloc : memref<!tpu.dma_semaphore, #tpu.memory_space<semaphore_mem>>
      %dma_start3A = arith.constant 0 : i32
      %dma_start3A_177 = tpu.memref_slice %arg11[%add3A, %dma_start3A] : memref<32x16xf32, #tpu.memory_space<vmem_shared>> -> memref<1x16xf32, #tpu.memory_space<vmem_shared>>
      %dma_start3A_178 = tpu.memref_squeeze %dma_start3A_177 : memref<1x16xf32, #tpu.memory_space<vmem_shared>> -> memref<16xf32, #tpu.memory_space<vmem_shared>>
      %dma_start3A_179 = arith.constant 0 : i32
      %dma_start3A_180 = tpu.memref_slice %arg11[%add3A, %dma_start3A_179] : memref<32x16xf32, #tpu.memory_space<vmem_shared>> -> memref<1x16xf32, #tpu.memory_space<vmem_shared>>
      %dma_start3A_181 = tpu.memref_squeeze %dma_start3A_180 : memref<1x16xf32, #tpu.memory_space<vmem_shared>> -> memref<16xf32, #tpu.memory_space<vmem_shared>>
      tpu.enqueue_dma source(%arg10 : memref<16xf32, #tpu.memory_space<vmem>>) target(%dma_start3A_181 : memref<16xf32, #tpu.memory_space<vmem_shared>>) target_semaphore(%run_scoped3A : memref<!tpu.dma_semaphore, #tpu.memory_space<semaphore_mem>>)
      %dma_wait3A = arith.constant 0 : i32
      %dma_wait3A_182 = tpu.memref_slice %arg11[%add3A, %dma_wait3A] : memref<32x16xf32, #tpu.memory_space<vmem_shared>> -> memref<1x16xf32, #tpu.memory_space<vmem_shared>>
      %dma_wait3A_183 = tpu.memref_squeeze %dma_wait3A_182 : memref<1x16xf32, #tpu.memory_space<vmem_shared>> -> memref<16xf32, #tpu.memory_space<vmem_shared>>
      %dma_wait3A_184 = arith.constant 0 : i32
      %dma_wait3A_185 = tpu.memref_slice %arg11[%add3A, %dma_wait3A_184] : memref<32x16xf32, #tpu.memory_space<vmem_shared>> -> memref<1x16xf32, #tpu.memory_space<vmem_shared>>
      %dma_wait3A_186 = tpu.memref_squeeze %dma_wait3A_185 : memref<1x16xf32, #tpu.memory_space<vmem_shared>> -> memref<16xf32, #tpu.memory_space<vmem_shared>>
      tpu.wait_dma2 semaphore(%run_scoped3A : memref<!tpu.dma_semaphore, #tpu.memory_space<semaphore_mem>>) src(%arg10 : memref<16xf32, #tpu.memory_space<vmem>>) dst(%dma_wait3A_186 : memref<16xf32, #tpu.memory_space<vmem_shared>>)
      tpu.yield
    }) : () -> ()
    %barrier3A = arith.constant 0 : index
    tpu.barrier barrier_id(%barrier3A)
    %sub3A_74 = arith.subi %add3A, %select_n3A_30 : i32
    %add3A_75 = arith.constant 0 : i32
    %add3A_76 = arith.addi %sub3A_74, %add3A_75 : i32
    "tpu.region"() ({
      %run_scoped3A = tpu.sem_alloc : memref<!tpu.dma_semaphore, #tpu.memory_space<semaphore_mem>>
      %dma_start3A = arith.constant 0 : i32
      %dma_start3A_177 = tpu.memref_slice %arg11[%add3A_76, %dma_start3A] : memref<32x16xf32, #tpu.memory_space<vmem_shared>> -> memref<1x16xf32, #tpu.memory_space<vmem_shared>>
      %dma_start3A_178 = tpu.memref_squeeze %dma_start3A_177 : memref<1x16xf32, #tpu.memory_space<vmem_shared>> -> memref<16xf32, #tpu.memory_space<vmem_shared>>
      %dma_start3A_179 = arith.constant 0 : i32
      %dma_start3A_180 = tpu.memref_slice %arg11[%add3A_76, %dma_start3A_179] : memref<32x16xf32, #tpu.memory_space<vmem_shared>> -> memref<1x16xf32, #tpu.memory_space<vmem_shared>>
      %dma_start3A_181 = tpu.memref_squeeze %dma_start3A_180 : memref<1x16xf32, #tpu.memory_space<vmem_shared>> -> memref<16xf32, #tpu.memory_space<vmem_shared>>
      tpu.enqueue_dma source(%dma_start3A_181 : memref<16xf32, #tpu.memory_space<vmem_shared>>) target(%arg10 : memref<16xf32, #tpu.memory_space<vmem>>) target_semaphore(%run_scoped3A : memref<!tpu.dma_semaphore, #tpu.memory_space<semaphore_mem>>)
      %dma_wait3A = arith.constant 0 : i32
      %dma_wait3A_182 = tpu.memref_slice %arg11[%add3A_76, %dma_wait3A] : memref<32x16xf32, #tpu.memory_space<vmem_shared>> -> memref<1x16xf32, #tpu.memory_space<vmem_shared>>
      %dma_wait3A_183 = tpu.memref_squeeze %dma_wait3A_182 : memref<1x16xf32, #tpu.memory_space<vmem_shared>> -> memref<16xf32, #tpu.memory_space<vmem_shared>>
      %dma_wait3A_184 = arith.constant 0 : i32
      %dma_wait3A_185 = tpu.memref_slice %arg11[%add3A_76, %dma_wait3A_184] : memref<32x16xf32, #tpu.memory_space<vmem_shared>> -> memref<1x16xf32, #tpu.memory_space<vmem_shared>>
      %dma_wait3A_186 = tpu.memref_squeeze %dma_wait3A_185 : memref<1x16xf32, #tpu.memory_space<vmem_shared>> -> memref<16xf32, #tpu.memory_space<vmem_shared>>
      tpu.wait_dma2 semaphore(%run_scoped3A : memref<!tpu.dma_semaphore, #tpu.memory_space<semaphore_mem>>) src(%dma_wait3A_186 : memref<16xf32, #tpu.memory_space<vmem_shared>>) dst(%arg10 : memref<16xf32, #tpu.memory_space<vmem>>)
      tpu.yield
    }) : () -> ()
    %get3A = arith.constant 0 : index
    %get3A_77 = tpu.vector_load %arg10[%get3A] {strides = array<i32>} : memref<16xf32, #tpu.memory_space<vmem>>, vector<16xf32>,
    %add3A_78 = arith.addf %broadcast_in_dim3A_31, %get3A_77 : vector<16xf32>
    %lt3A_79 = arith.constant 0 : i32
    %lt3A_80 = arith.cmpi slt, %lt3A_79, %select_n3A_30 : i32
    %jit3A_81 = arith.constant 0.000000e+00 : f32
    %broadcast_in_dim3A_82 = vector.broadcast %jit3A_81 : f32 to vector<16xf32>
    %select_n3A_83 = arith.select %lt3A_80, %get3A_77, %broadcast_in_dim3A_82 : vector<16xf32>
    %add3A_84 = arith.addf %broadcast_in_dim3A_31, %select_n3A_83 : vector<16xf32>
    %add3A_85 = arith.constant 1 : i32
    %add3A_86 = arith.addi %sub3A_74, %add3A_85 : i32
    "tpu.region"() ({
      %run_scoped3A = tpu.sem_alloc : memref<!tpu.dma_semaphore, #tpu.memory_space<semaphore_mem>>
      %dma_start3A = arith.constant 0 : i32
      %dma_start3A_177 = tpu.memref_slice %arg11[%add3A_86, %dma_start3A] : memref<32x16xf32, #tpu.memory_space<vmem_shared>> -> memref<1x16xf32, #tpu.memory_space<vmem_shared>>
      %dma_start3A_178 = tpu.memref_squeeze %dma_start3A_177 : memref<1x16xf32, #tpu.memory_space<vmem_shared>> -> memref<16xf32, #tpu.memory_space<vmem_shared>>
      %dma_start3A_179 = arith.constant 0 : i32
      %dma_start3A_180 = tpu.memref_slice %arg11[%add3A_86, %dma_start3A_179] : memref<32x16xf32, #tpu.memory_space<vmem_shared>> -> memref<1x16xf32, #tpu.memory_space<vmem_shared>>
      %dma_start3A_181 = tpu.memref_squeeze %dma_start3A_180 : memref<1x16xf32, #tpu.memory_space<vmem_shared>> -> memref<16xf32, #tpu.memory_space<vmem_shared>>
      tpu.enqueue_dma source(%dma_start3A_181 : memref<16xf32, #tpu.memory_space<vmem_shared>>) target(%arg10 : memref<16xf32, #tpu.memory_space<vmem>>) target_semaphore(%run_scoped3A : memref<!tpu.dma_semaphore, #tpu.memory_space<semaphore_mem>>)
      %dma_wait3A = arith.constant 0 : i32
      %dma_wait3A_182 = tpu.memref_slice %arg11[%add3A_86, %dma_wait3A] : memref<32x16xf32, #tpu.memory_space<vmem_shared>> -> memref<1x16xf32, #tpu.memory_space<vmem_shared>>
      %dma_wait3A_183 = tpu.memref_squeeze %dma_wait3A_182 : memref<1x16xf32, #tpu.memory_space<vmem_shared>> -> memref<16xf32, #tpu.memory_space<vmem_shared>>
      %dma_wait3A_184 = arith.constant 0 : i32
      %dma_wait3A_185 = tpu.memref_slice %arg11[%add3A_86, %dma_wait3A_184] : memref<32x16xf32, #tpu.memory_space<vmem_shared>> -> memref<1x16xf32, #tpu.memory_space<vmem_shared>>
      %dma_wait3A_186 = tpu.memref_squeeze %dma_wait3A_185 : memref<1x16xf32, #tpu.memory_space<vmem_shared>> -> memref<16xf32, #tpu.memory_space<vmem_shared>>
      tpu.wait_dma2 semaphore(%run_scoped3A : memref<!tpu.dma_semaphore, #tpu.memory_space<semaphore_mem>>) src(%dma_wait3A_186 : memref<16xf32, #tpu.memory_space<vmem_shared>>) dst(%arg10 : memref<16xf32, #tpu.memory_space<vmem>>)
      tpu.yield
    }) : () -> ()
    %get3A_87 = arith.constant 0 : index
    %get3A_88 = tpu.vector_load %arg10[%get3A_87] {strides = array<i32>} : memref<16xf32, #tpu.memory_space<vmem>>, vector<16xf32>,
    %add3A_89 = arith.addf %add3A_78, %get3A_88 : vector<16xf32>
    %lt3A_90 = arith.constant 1 : i32
    %lt3A_91 = arith.cmpi slt, %lt3A_90, %select_n3A_30 : i32
    %jit3A_92 = arith.constant 0.000000e+00 : f32
    %broadcast_in_dim3A_93 = vector.broadcast %jit3A_92 : f32 to vector<16xf32>
    %select_n3A_94 = arith.select %lt3A_91, %get3A_88, %broadcast_in_dim3A_93 : vector<16xf32>
    %add3A_95 = arith.addf %add3A_84, %select_n3A_94 : vector<16xf32>
    %add3A_96 = arith.constant 2 : i32
    %add3A_97 = arith.addi %sub3A_74, %add3A_96 : i32
    "tpu.region"() ({
      %run_scoped3A = tpu.sem_alloc : memref<!tpu.dma_semaphore, #tpu.memory_space<semaphore_mem>>
      %dma_start3A = arith.constant 0 : i32
      %dma_start3A_177 = tpu.memref_slice %arg11[%add3A_97, %dma_start3A] : memref<32x16xf32, #tpu.memory_space<vmem_shared>> -> memref<1x16xf32, #tpu.memory_space<vmem_shared>>
      %dma_start3A_178 = tpu.memref_squeeze %dma_start3A_177 : memref<1x16xf32, #tpu.memory_space<vmem_shared>> -> memref<16xf32, #tpu.memory_space<vmem_shared>>
      %dma_start3A_179 = arith.constant 0 : i32
      %dma_start3A_180 = tpu.memref_slice %arg11[%add3A_97, %dma_start3A_179] : memref<32x16xf32, #tpu.memory_space<vmem_shared>> -> memref<1x16xf32, #tpu.memory_space<vmem_shared>>
      %dma_start3A_181 = tpu.memref_squeeze %dma_start3A_180 : memref<1x16xf32, #tpu.memory_space<vmem_shared>> -> memref<16xf32, #tpu.memory_space<vmem_shared>>
      tpu.enqueue_dma source(%dma_start3A_181 : memref<16xf32, #tpu.memory_space<vmem_shared>>) target(%arg10 : memref<16xf32, #tpu.memory_space<vmem>>) target_semaphore(%run_scoped3A : memref<!tpu.dma_semaphore, #tpu.memory_space<semaphore_mem>>)
      %dma_wait3A = arith.constant 0 : i32
      %dma_wait3A_182 = tpu.memref_slice %arg11[%add3A_97, %dma_wait3A] : memref<32x16xf32, #tpu.memory_space<vmem_shared>> -> memref<1x16xf32, #tpu.memory_space<vmem_shared>>
      %dma_wait3A_183 = tpu.memref_squeeze %dma_wait3A_182 : memref<1x16xf32, #tpu.memory_space<vmem_shared>> -> memref<16xf32, #tpu.memory_space<vmem_shared>>
      %dma_wait3A_184 = arith.constant 0 : i32
      %dma_wait3A_185 = tpu.memref_slice %arg11[%add3A_97, %dma_wait3A_184] : memref<32x16xf32, #tpu.memory_space<vmem_shared>> -> memref<1x16xf32, #tpu.memory_space<vmem_shared>>
      %dma_wait3A_186 = tpu.memref_squeeze %dma_wait3A_185 : memref<1x16xf32, #tpu.memory_space<vmem_shared>> -> memref<16xf32, #tpu.memory_space<vmem_shared>>
      tpu.wait_dma2 semaphore(%run_scoped3A : memref<!tpu.dma_semaphore, #tpu.memory_space<semaphore_mem>>) src(%dma_wait3A_186 : memref<16xf32, #tpu.memory_space<vmem_shared>>) dst(%arg10 : memref<16xf32, #tpu.memory_space<vmem>>)
      tpu.yield
    }) : () -> ()
    %get3A_98 = arith.constant 0 : index
    %get3A_99 = tpu.vector_load %arg10[%get3A_98] {strides = array<i32>} : memref<16xf32, #tpu.memory_space<vmem>>, vector<16xf32>,
    %add3A_100 = arith.addf %add3A_89, %get3A_99 : vector<16xf32>
    %lt3A_101 = arith.constant 2 : i32
    %lt3A_102 = arith.cmpi slt, %lt3A_101, %select_n3A_30 : i32
    %jit3A_103 = arith.constant 0.000000e+00 : f32
    %broadcast_in_dim3A_104 = vector.broadcast %jit3A_103 : f32 to vector<16xf32>
    %select_n3A_105 = arith.select %lt3A_102, %get3A_99, %broadcast_in_dim3A_104 : vector<16xf32>
    %add3A_106 = arith.addf %add3A_95, %select_n3A_105 : vector<16xf32>
    %add3A_107 = arith.constant 3 : i32
    %add3A_108 = arith.addi %sub3A_74, %add3A_107 : i32
    "tpu.region"() ({
      %run_scoped3A = tpu.sem_alloc : memref<!tpu.dma_semaphore, #tpu.memory_space<semaphore_mem>>
      %dma_start3A = arith.constant 0 : i32
      %dma_start3A_177 = tpu.memref_slice %arg11[%add3A_108, %dma_start3A] : memref<32x16xf32, #tpu.memory_space<vmem_shared>> -> memref<1x16xf32, #tpu.memory_space<vmem_shared>>
      %dma_start3A_178 = tpu.memref_squeeze %dma_start3A_177 : memref<1x16xf32, #tpu.memory_space<vmem_shared>> -> memref<16xf32, #tpu.memory_space<vmem_shared>>
      %dma_start3A_179 = arith.constant 0 : i32
      %dma_start3A_180 = tpu.memref_slice %arg11[%add3A_108, %dma_start3A_179] : memref<32x16xf32, #tpu.memory_space<vmem_shared>> -> memref<1x16xf32, #tpu.memory_space<vmem_shared>>
      %dma_start3A_181 = tpu.memref_squeeze %dma_start3A_180 : memref<1x16xf32, #tpu.memory_space<vmem_shared>> -> memref<16xf32, #tpu.memory_space<vmem_shared>>
      tpu.enqueue_dma source(%dma_start3A_181 : memref<16xf32, #tpu.memory_space<vmem_shared>>) target(%arg10 : memref<16xf32, #tpu.memory_space<vmem>>) target_semaphore(%run_scoped3A : memref<!tpu.dma_semaphore, #tpu.memory_space<semaphore_mem>>)
      %dma_wait3A = arith.constant 0 : i32
      %dma_wait3A_182 = tpu.memref_slice %arg11[%add3A_108, %dma_wait3A] : memref<32x16xf32, #tpu.memory_space<vmem_shared>> -> memref<1x16xf32, #tpu.memory_space<vmem_shared>>
      %dma_wait3A_183 = tpu.memref_squeeze %dma_wait3A_182 : memref<1x16xf32, #tpu.memory_space<vmem_shared>> -> memref<16xf32, #tpu.memory_space<vmem_shared>>
      %dma_wait3A_184 = arith.constant 0 : i32
      %dma_wait3A_185 = tpu.memref_slice %arg11[%add3A_108, %dma_wait3A_184] : memref<32x16xf32, #tpu.memory_space<vmem_shared>> -> memref<1x16xf32, #tpu.memory_space<vmem_shared>>
      %dma_wait3A_186 = tpu.memref_squeeze %dma_wait3A_185 : memref<1x16xf32, #tpu.memory_space<vmem_shared>> -> memref<16xf32, #tpu.memory_space<vmem_shared>>
      tpu.wait_dma2 semaphore(%run_scoped3A : memref<!tpu.dma_semaphore, #tpu.memory_space<semaphore_mem>>) src(%dma_wait3A_186 : memref<16xf32, #tpu.memory_space<vmem_shared>>) dst(%arg10 : memref<16xf32, #tpu.memory_space<vmem>>)
      tpu.yield
    }) : () -> ()
    %get3A_109 = arith.constant 0 : index
    %get3A_110 = tpu.vector_load %arg10[%get3A_109] {strides = array<i32>} : memref<16xf32, #tpu.memory_space<vmem>>, vector<16xf32>,
    %add3A_111 = arith.addf %add3A_100, %get3A_110 : vector<16xf32>
    %lt3A_112 = arith.constant 3 : i32
    %lt3A_113 = arith.cmpi slt, %lt3A_112, %select_n3A_30 : i32
    %jit3A_114 = arith.constant 0.000000e+00 : f32
    %broadcast_in_dim3A_115 = vector.broadcast %jit3A_114 : f32 to vector<16xf32>
    %select_n3A_116 = arith.select %lt3A_113, %get3A_110, %broadcast_in_dim3A_115 : vector<16xf32>
    %add3A_117 = arith.addf %add3A_106, %select_n3A_116 : vector<16xf32>
    %broadcast_in_dim3A_118 = arith.constant 1.638400e+04 : f32
    %broadcast_in_dim3A_119 = vector.broadcast %broadcast_in_dim3A_118 : f32 to vector<16xf32>
    %div3A_120 = arith.divf %broadcast_in_dim3A_119, %add3A_111 : vector<16xf32>
    %add3A_121 = arith.addf %sub3A_67, %add3A_117 : vector<16xf32>
    %parallel_loop3A_122 = arith.constant 0 : i32
    %parallel_loop3A_123 = arith.constant 1562 : i32
    %parallel_loop3A_124 = arith.constant 1 : i32
    %parallel_loop3A_125 = scf.for %parallel_loop3A_177 = %parallel_loop3A_122 to %parallel_loop3A_123 step %parallel_loop3A_124 iter_args(%parallel_loop3A_178 = %add3A_121) -> (vector<16xf32>)  : i32 {
      %parallel_loop3A_179 = vector.broadcast %parallel_loop3A_177 : i32 to vector<16xi32>
      %parallel_loop3A_180 = arith.addi %add3A_45, %parallel_loop3A_179 : vector<16xi32>
      %parallel_loop3A_181 = tpu.vector_load_idx %arg4[%parallel_loop3A_180] : memref<25000xf32, #tpu.memory_space<vmem>>[vector<16xi32>], vector<16xf32>,
      %parallel_loop3A_182 = arith.addf %parallel_loop3A_178, %parallel_loop3A_181 : vector<16xf32>
      %parallel_loop3A_183 = arith.mulf %parallel_loop3A_182, %div3A_120 : vector<16xf32>
      %parallel_loop3A_184 = arith.fptosi %parallel_loop3A_183 : vector<16xf32> to vector<16xi32>
      %parallel_loop3A_185 = arith.constant 16383 : i32
      %parallel_loop3A_186 = vector.broadcast %parallel_loop3A_185 : i32 to vector<16xi32>
      %parallel_loop3A_187 = arith.minsi %parallel_loop3A_184, %parallel_loop3A_186 : vector<16xi32>
      %parallel_loop3A_188 = vector.broadcast %parallel_loop3A_177 : i32 to vector<16xi32>
      %parallel_loop3A_189 = arith.addi %add3A_45, %parallel_loop3A_188 : vector<16xi32>
      %parallel_loop3A_190 = arith.constant 1 : i32
      %parallel_loop3A_191 = vector.broadcast %parallel_loop3A_190 : i32 to vector<16xi32>
      %parallel_loop3A_192 = arith.addi %parallel_loop3A_189, %parallel_loop3A_191 : vector<16xi32>
      tpu.vector_store_idx %arg5[%parallel_loop3A_187], %parallel_loop3A_192 : memref<16384xi32, #tpu.memory_space<vmem>>[vector<16xi32>], vector<16xi32>,
      scf.yield %parallel_loop3A_182 : vector<16xf32>
    } {sc.loop_unroll_factor = 11 : i64, sc.parallel_access}
    %jit3A_126 = arith.constant 0.000000e+00 : f32
    %broadcast_in_dim3A_127 = vector.broadcast %jit3A_126 : f32 to vector<16xf32>
    %select_n3A_128 = arith.select %lt3A_48, %gather3A, %broadcast_in_dim3A_127 : vector<16xi1>, vector<16xf32>
    %add3A_129 = arith.addf %parallel_loop3A_125, %select_n3A_128 : vector<16xf32>
    %mul3A_130 = arith.mulf %add3A_129, %div3A_120 : vector<16xf32>
    %convert_element_type3A = arith.fptosi %mul3A_130 : vector<16xf32> to vector<16xi32>
    %min3A_131 = arith.constant 16383 : i32
    %min3A_132 = vector.broadcast %min3A_131 : i32 to vector<16xi32>
    %min3A_133 = arith.minsi %convert_element_type3A, %min3A_132 : vector<16xi32>
    %add3A_134 = arith.constant 1562 : i32
    %add3A_135 = vector.broadcast %add3A_134 : i32 to vector<16xi32>
    %add3A_136 = arith.addi %add3A_45, %add3A_135 : vector<16xi32>
    %add3A_137 = arith.constant 1 : i32
    %add3A_138 = vector.broadcast %add3A_137 : i32 to vector<16xi32>
    %add3A_139 = arith.addi %add3A_136, %add3A_138 : vector<16xi32>
    tpu.vector_store_idx %arg5[%min3A_133], %add3A_139 masked %lt3A_48 : memref<16384xi32, #tpu.memory_space<vmem>>[vector<16xi32>], vector<16xi32>, vector<16xi1>
    %parallel_loop3A_140 = arith.constant 0 : i32
    %parallel_loop3A_141 = arith.constant 1024 : i32
    %parallel_loop3A_142 = arith.constant 1 : i32
    %parallel_loop3A_143 = scf.for %parallel_loop3A_177 = %parallel_loop3A_140 to %parallel_loop3A_141 step %parallel_loop3A_142 iter_args(%parallel_loop3A_178 = %broadcast_in_dim3A_33) -> (vector<16xi32>)  : i32 {
      %parallel_loop3A_179 = arith.constant 16 : i32
      %parallel_loop3A_180 = arith.muli %parallel_loop3A_177, %parallel_loop3A_179 : i32
      %parallel_loop3A_181 = arith.index_cast %parallel_loop3A_180 : i32 to index
      %parallel_loop3A_182 = tpu.vector_load %arg5[%parallel_loop3A_181] {strides = array<i32>} : memref<16384xi32, #tpu.memory_space<vmem>>, vector<16xi32>,
      %parallel_loop3A_183 = arith.constant true
      %parallel_loop3A_184 = vector.broadcast %parallel_loop3A_183 : i1 to vector<16xi1>
      %parallel_loop3A_185 = arith.constant -2147483648 : i32
      %parallel_loop3A_186 = vector.broadcast %parallel_loop3A_185 : i32 to vector<16xi32>
      %parallel_loop3A_187 = arith.xori %parallel_loop3A_182, %parallel_loop3A_186 : vector<16xi32>
      %parallel_loop3A_188 = tpu.scan <max>, %parallel_loop3A_187 masked %parallel_loop3A_184 : vector<16xi32>, vector<16xi1> -> vector<16xi32>
      %parallel_loop3A_189 = arith.xori %parallel_loop3A_188, %parallel_loop3A_186 : vector<16xi32>
      %parallel_loop3A_190 = arith.maxsi %parallel_loop3A_189, %parallel_loop3A_178 : vector<16xi32>
      %parallel_loop3A_191 = arith.constant 16 : i32
      %parallel_loop3A_192 = arith.muli %parallel_loop3A_177, %parallel_loop3A_191 : i32
      %parallel_loop3A_193 = arith.index_cast %parallel_loop3A_192 : i32 to index
      %parallel_loop3A_194 = tpu.vector_load %arg5[%parallel_loop3A_193] {strides = array<i32>} : memref<16384xi32, #tpu.memory_space<vmem>>, vector<16xi32>,
      tpu.vector_store %arg5[%parallel_loop3A_193], %parallel_loop3A_190 {strides = array<i32>} : memref<16384xi32, #tpu.memory_space<vmem>>, vector<16xi32>,
      %parallel_loop3A_195 = arith.constant true
      %parallel_loop3A_196 = vector.broadcast %parallel_loop3A_195 : i1 to vector<16xi1>
      %parallel_loop3A_197 = arith.constant -2147483648 : i32
      %parallel_loop3A_198 = vector.broadcast %parallel_loop3A_197 : i32 to vector<16xi32>
      %parallel_loop3A_199 = arith.xori %parallel_loop3A_182, %parallel_loop3A_198 : vector<16xi32>
      %parallel_loop3A_200 = tpu.scan <max>, %parallel_loop3A_199 masked %parallel_loop3A_196 : vector<16xi32>, vector<16xi1> -> vector<16xi32>
      %parallel_loop3A_201 = arith.xori %parallel_loop3A_200, %parallel_loop3A_198 : vector<16xi32>
      %parallel_loop3A_202 = vector.extract %parallel_loop3A_201[15] : i32 from vector<16xi32>
      %parallel_loop3A_203 = vector.broadcast %parallel_loop3A_202 : i32 to vector<16xi32>
      %parallel_loop3A_204 = arith.addi %broadcast_in_dim3A_33, %parallel_loop3A_203 : vector<16xi32>
      %parallel_loop3A_205 = arith.maxsi %parallel_loop3A_178, %parallel_loop3A_204 : vector<16xi32>
      scf.yield %parallel_loop3A_205 : vector<16xi32>
    } {sc.loop_unroll_factor = 4 : i64, sc.parallel_access}
    "tpu.region"() ({
      %run_scoped3A = tpu.sem_alloc : memref<!tpu.dma_semaphore, #tpu.memory_space<semaphore_mem>>
      %dma_start3A = arith.constant 0 : i32
      %dma_start3A_177 = tpu.memref_slice %arg12[%add3A, %dma_start3A] : memref<32x16384xi32, #tpu.memory_space<vmem_shared>> -> memref<1x16384xi32, #tpu.memory_space<vmem_shared>>
      %dma_start3A_178 = tpu.memref_squeeze %dma_start3A_177 : memref<1x16384xi32, #tpu.memory_space<vmem_shared>> -> memref<16384xi32, #tpu.memory_space<vmem_shared>>
      %dma_start3A_179 = arith.constant 0 : i32
      %dma_start3A_180 = tpu.memref_slice %arg12[%add3A, %dma_start3A_179] : memref<32x16384xi32, #tpu.memory_space<vmem_shared>> -> memref<1x16384xi32, #tpu.memory_space<vmem_shared>>
      %dma_start3A_181 = tpu.memref_squeeze %dma_start3A_180 : memref<1x16384xi32, #tpu.memory_space<vmem_shared>> -> memref<16384xi32, #tpu.memory_space<vmem_shared>>
      tpu.enqueue_dma source(%arg5 : memref<16384xi32, #tpu.memory_space<vmem>>) target(%dma_start3A_181 : memref<16384xi32, #tpu.memory_space<vmem_shared>>) target_semaphore(%run_scoped3A : memref<!tpu.dma_semaphore, #tpu.memory_space<semaphore_mem>>)
      %dma_wait3A = arith.constant 0 : i32
      %dma_wait3A_182 = tpu.memref_slice %arg12[%add3A, %dma_wait3A] : memref<32x16384xi32, #tpu.memory_space<vmem_shared>> -> memref<1x16384xi32, #tpu.memory_space<vmem_shared>>
      %dma_wait3A_183 = tpu.memref_squeeze %dma_wait3A_182 : memref<1x16384xi32, #tpu.memory_space<vmem_shared>> -> memref<16384xi32, #tpu.memory_space<vmem_shared>>
      %dma_wait3A_184 = arith.constant 0 : i32
      %dma_wait3A_185 = tpu.memref_slice %arg12[%add3A, %dma_wait3A_184] : memref<32x16384xi32, #tpu.memory_space<vmem_shared>> -> memref<1x16384xi32, #tpu.memory_space<vmem_shared>>
      %dma_wait3A_186 = tpu.memref_squeeze %dma_wait3A_185 : memref<1x16384xi32, #tpu.memory_space<vmem_shared>> -> memref<16384xi32, #tpu.memory_space<vmem_shared>>
      tpu.wait_dma2 semaphore(%run_scoped3A : memref<!tpu.dma_semaphore, #tpu.memory_space<semaphore_mem>>) src(%arg5 : memref<16384xi32, #tpu.memory_space<vmem>>) dst(%dma_wait3A_186 : memref<16384xi32, #tpu.memory_space<vmem_shared>>)
      tpu.yield
    }) : () -> ()
    %barrier3A_144 = arith.constant 0 : index
    tpu.barrier barrier_id(%barrier3A_144)
    %add3A_145 = arith.constant 99999 : i32
    %add3A_146 = vector.broadcast %add3A_145 : i32 to vector<16xi32>
    %add3A_147 = arith.addi %broadcast_in_dim3A_33, %add3A_146 : vector<16xi32>
    %add3A_148 = arith.constant 1 : i32
    %add3A_149 = arith.addi %select_n3A_30, %add3A_148 : i32
    %rem3A_150 = arith.constant 4 : i32
    %rem3A_151 = arith.remsi %add3A_149, %rem3A_150 : i32
    %add3A_152 = arith.addi %sub3A_74, %rem3A_151 : i32
    "tpu.region"() ({
      %run_scoped3A = tpu.sem_alloc : memref<!tpu.dma_semaphore, #tpu.memory_space<semaphore_mem>>
      %dma_start3A = arith.constant 0 : i32
      %dma_start3A_177 = tpu.memref_slice %arg12[%add3A_152, %dma_start3A] : memref<32x16384xi32, #tpu.memory_space<vmem_shared>> -> memref<1x16384xi32, #tpu.memory_space<vmem_shared>>
      %dma_start3A_178 = tpu.memref_squeeze %dma_start3A_177 : memref<1x16384xi32, #tpu.memory_space<vmem_shared>> -> memref<16384xi32, #tpu.memory_space<vmem_shared>>
      %dma_start3A_179 = arith.constant 0 : i32
      %dma_start3A_180 = tpu.memref_slice %arg12[%add3A_152, %dma_start3A_179] : memref<32x16384xi32, #tpu.memory_space<vmem_shared>> -> memref<1x16384xi32, #tpu.memory_space<vmem_shared>>
      %dma_start3A_181 = tpu.memref_squeeze %dma_start3A_180 : memref<1x16384xi32, #tpu.memory_space<vmem_shared>> -> memref<16384xi32, #tpu.memory_space<vmem_shared>>
      tpu.enqueue_dma source(%dma_start3A_181 : memref<16384xi32, #tpu.memory_space<vmem_shared>>) target(%arg6 : memref<16384xi32, #tpu.memory_space<vmem>>) target_semaphore(%run_scoped3A : memref<!tpu.dma_semaphore, #tpu.memory_space<semaphore_mem>>)
      %dma_wait3A = arith.constant 0 : i32
      %dma_wait3A_182 = tpu.memref_slice %arg12[%add3A_152, %dma_wait3A] : memref<32x16384xi32, #tpu.memory_space<vmem_shared>> -> memref<1x16384xi32, #tpu.memory_space<vmem_shared>>
      %dma_wait3A_183 = tpu.memref_squeeze %dma_wait3A_182 : memref<1x16384xi32, #tpu.memory_space<vmem_shared>> -> memref<16384xi32, #tpu.memory_space<vmem_shared>>
      %dma_wait3A_184 = arith.constant 0 : i32
      %dma_wait3A_185 = tpu.memref_slice %arg12[%add3A_152, %dma_wait3A_184] : memref<32x16384xi32, #tpu.memory_space<vmem_shared>> -> memref<1x16384xi32, #tpu.memory_space<vmem_shared>>
      %dma_wait3A_186 = tpu.memref_squeeze %dma_wait3A_185 : memref<1x16384xi32, #tpu.memory_space<vmem_shared>> -> memref<16384xi32, #tpu.memory_space<vmem_shared>>
      tpu.wait_dma2 semaphore(%run_scoped3A : memref<!tpu.dma_semaphore, #tpu.memory_space<semaphore_mem>>) src(%dma_wait3A_186 : memref<16384xi32, #tpu.memory_space<vmem_shared>>) dst(%arg6 : memref<16384xi32, #tpu.memory_space<vmem>>)
      tpu.yield
    }) : () -> ()
    %add3A_153 = arith.constant 2 : i32
    %add3A_154 = arith.addi %select_n3A_30, %add3A_153 : i32
    %rem3A_155 = arith.constant 4 : i32
    %rem3A_156 = arith.remsi %add3A_154, %rem3A_155 : i32
    %add3A_157 = arith.addi %sub3A_74, %rem3A_156 : i32
    "tpu.region"() ({
      %run_scoped3A = tpu.sem_alloc : memref<!tpu.dma_semaphore, #tpu.memory_space<semaphore_mem>>
      %dma_start3A = arith.constant 0 : i32
      %dma_start3A_177 = tpu.memref_slice %arg12[%add3A_157, %dma_start3A] : memref<32x16384xi32, #tpu.memory_space<vmem_shared>> -> memref<1x16384xi32, #tpu.memory_space<vmem_shared>>
      %dma_start3A_178 = tpu.memref_squeeze %dma_start3A_177 : memref<1x16384xi32, #tpu.memory_space<vmem_shared>> -> memref<16384xi32, #tpu.memory_space<vmem_shared>>
      %dma_start3A_179 = arith.constant 0 : i32
      %dma_start3A_180 = tpu.memref_slice %arg12[%add3A_157, %dma_start3A_179] : memref<32x16384xi32, #tpu.memory_space<vmem_shared>> -> memref<1x16384xi32, #tpu.memory_space<vmem_shared>>
      %dma_start3A_181 = tpu.memref_squeeze %dma_start3A_180 : memref<1x16384xi32, #tpu.memory_space<vmem_shared>> -> memref<16384xi32, #tpu.memory_space<vmem_shared>>
      tpu.enqueue_dma source(%dma_start3A_181 : memref<16384xi32, #tpu.memory_space<vmem_shared>>) target(%arg7 : memref<16384xi32, #tpu.memory_space<vmem>>) target_semaphore(%run_scoped3A : memref<!tpu.dma_semaphore, #tpu.memory_space<semaphore_mem>>)
      %dma_wait3A = arith.constant 0 : i32
      %dma_wait3A_182 = tpu.memref_slice %arg12[%add3A_157, %dma_wait3A] : memref<32x16384xi32, #tpu.memory_space<vmem_shared>> -> memref<1x16384xi32, #tpu.memory_space<vmem_shared>>
      %dma_wait3A_183 = tpu.memref_squeeze %dma_wait3A_182 : memref<1x16384xi32, #tpu.memory_space<vmem_shared>> -> memref<16384xi32, #tpu.memory_space<vmem_shared>>
      %dma_wait3A_184 = arith.constant 0 : i32
      %dma_wait3A_185 = tpu.memref_slice %arg12[%add3A_157, %dma_wait3A_184] : memref<32x16384xi32, #tpu.memory_space<vmem_shared>> -> memref<1x16384xi32, #tpu.memory_space<vmem_shared>>
      %dma_wait3A_186 = tpu.memref_squeeze %dma_wait3A_185 : memref<1x16384xi32, #tpu.memory_space<vmem_shared>> -> memref<16384xi32, #tpu.memory_space<vmem_shared>>
      tpu.wait_dma2 semaphore(%run_scoped3A : memref<!tpu.dma_semaphore, #tpu.memory_space<semaphore_mem>>) src(%dma_wait3A_186 : memref<16384xi32, #tpu.memory_space<vmem_shared>>) dst(%arg7 : memref<16384xi32, #tpu.memory_space<vmem>>)
      tpu.yield
    }) : () -> ()
    %add3A_158 = arith.constant 3 : i32
    %add3A_159 = arith.addi %select_n3A_30, %add3A_158 : i32
    %rem3A_160 = arith.constant 4 : i32
    %rem3A_161 = arith.remsi %add3A_159, %rem3A_160 : i32
    %add3A_162 = arith.addi %sub3A_74, %rem3A_161 : i32
    "tpu.region"() ({
      %run_scoped3A = tpu.sem_alloc : memref<!tpu.dma_semaphore, #tpu.memory_space<semaphore_mem>>
      %dma_start3A = arith.constant 0 : i32
      %dma_start3A_177 = tpu.memref_slice %arg12[%add3A_162, %dma_start3A] : memref<32x16384xi32, #tpu.memory_space<vmem_shared>> -> memref<1x16384xi32, #tpu.memory_space<vmem_shared>>
      %dma_start3A_178 = tpu.memref_squeeze %dma_start3A_177 : memref<1x16384xi32, #tpu.memory_space<vmem_shared>> -> memref<16384xi32, #tpu.memory_space<vmem_shared>>
      %dma_start3A_179 = arith.constant 0 : i32
      %dma_start3A_180 = tpu.memref_slice %arg12[%add3A_162, %dma_start3A_179] : memref<32x16384xi32, #tpu.memory_space<vmem_shared>> -> memref<1x16384xi32, #tpu.memory_space<vmem_shared>>
      %dma_start3A_181 = tpu.memref_squeeze %dma_start3A_180 : memref<1x16384xi32, #tpu.memory_space<vmem_shared>> -> memref<16384xi32, #tpu.memory_space<vmem_shared>>
      tpu.enqueue_dma source(%dma_start3A_181 : memref<16384xi32, #tpu.memory_space<vmem_shared>>) target(%arg8 : memref<16384xi32, #tpu.memory_space<vmem>>) target_semaphore(%run_scoped3A : memref<!tpu.dma_semaphore, #tpu.memory_space<semaphore_mem>>)
      %dma_wait3A = arith.constant 0 : i32
      %dma_wait3A_182 = tpu.memref_slice %arg12[%add3A_162, %dma_wait3A] : memref<32x16384xi32, #tpu.memory_space<vmem_shared>> -> memref<1x16384xi32, #tpu.memory_space<vmem_shared>>
      %dma_wait3A_183 = tpu.memref_squeeze %dma_wait3A_182 : memref<1x16384xi32, #tpu.memory_space<vmem_shared>> -> memref<16384xi32, #tpu.memory_space<vmem_shared>>
      %dma_wait3A_184 = arith.constant 0 : i32
      %dma_wait3A_185 = tpu.memref_slice %arg12[%add3A_162, %dma_wait3A_184] : memref<32x16384xi32, #tpu.memory_space<vmem_shared>> -> memref<1x16384xi32, #tpu.memory_space<vmem_shared>>
      %dma_wait3A_186 = tpu.memref_squeeze %dma_wait3A_185 : memref<1x16384xi32, #tpu.memory_space<vmem_shared>> -> memref<16384xi32, #tpu.memory_space<vmem_shared>>
      tpu.wait_dma2 semaphore(%run_scoped3A : memref<!tpu.dma_semaphore, #tpu.memory_space<semaphore_mem>>) src(%dma_wait3A_186 : memref<16384xi32, #tpu.memory_space<vmem_shared>>) dst(%arg8 : memref<16384xi32, #tpu.memory_space<vmem>>)
      tpu.yield
    }) : () -> ()
    %parallel_loop3A_163 = arith.constant 0 : i32
    %parallel_loop3A_164 = arith.constant 1024 : i32
    %parallel_loop3A_165 = arith.constant 1 : i32
    scf.for %parallel_loop3A_177 = %parallel_loop3A_163 to %parallel_loop3A_164 step %parallel_loop3A_165  : i32 {
      %parallel_loop3A_178 = arith.constant 16 : i32
      %parallel_loop3A_179 = arith.muli %parallel_loop3A_177, %parallel_loop3A_178 : i32
      %parallel_loop3A_180 = arith.index_cast %parallel_loop3A_179 : i32 to index
      %parallel_loop3A_181 = tpu.vector_load %arg5[%parallel_loop3A_180] {strides = array<i32>} : memref<16384xi32, #tpu.memory_space<vmem>>, vector<16xi32>,
      %parallel_loop3A_182 = arith.index_cast %parallel_loop3A_179 : i32 to index
      %parallel_loop3A_183 = tpu.vector_load %arg6[%parallel_loop3A_182] {strides = array<i32>} : memref<16384xi32, #tpu.memory_space<vmem>>, vector<16xi32>,
      %parallel_loop3A_184 = arith.addi %parallel_loop3A_181, %parallel_loop3A_183 : vector<16xi32>
      %parallel_loop3A_185 = arith.index_cast %parallel_loop3A_179 : i32 to index
      %parallel_loop3A_186 = tpu.vector_load %arg7[%parallel_loop3A_185] {strides = array<i32>} : memref<16384xi32, #tpu.memory_space<vmem>>, vector<16xi32>,
      %parallel_loop3A_187 = arith.index_cast %parallel_loop3A_179 : i32 to index
      %parallel_loop3A_188 = tpu.vector_load %arg8[%parallel_loop3A_187] {strides = array<i32>} : memref<16384xi32, #tpu.memory_space<vmem>>, vector<16xi32>,
      %parallel_loop3A_189 = arith.addi %parallel_loop3A_186, %parallel_loop3A_188 : vector<16xi32>
      %parallel_loop3A_190 = arith.addi %parallel_loop3A_184, %parallel_loop3A_189 : vector<16xi32>
      %parallel_loop3A_191 = arith.minsi %parallel_loop3A_190, %add3A_147 : vector<16xi32>
      %parallel_loop3A_192 = arith.index_cast %parallel_loop3A_179 : i32 to index
      %parallel_loop3A_193 = tpu.vector_load %arg5[%parallel_loop3A_192] {strides = array<i32>} : memref<16384xi32, #tpu.memory_space<vmem>>, vector<16xi32>,
      tpu.vector_store %arg5[%parallel_loop3A_192], %parallel_loop3A_191 {strides = array<i32>} : memref<16384xi32, #tpu.memory_space<vmem>>, vector<16xi32>,
    } {sc.loop_unroll_factor = 4 : i64, sc.parallel_access}
    %mul3A_166 = arith.constant 2048 : i32
    %mul3A_167 = arith.muli %add3A, %mul3A_166 : i32
    %mul3A_168 = arith.constant 16 : i32
    %mul3A_169 = arith.muli %mul3A_167, %mul3A_168 : i32
    %parallel_loop3A_170 = arith.constant 0 : i32
    %parallel_loop3A_171 = arith.constant 2048 : i32
    %parallel_loop3A_172 = arith.constant 1 : i32
    %parallel_loop3A_173 = arith.constant 16383 : i32
    %parallel_loop3A_174 = scf.for %parallel_loop3A_177 = %parallel_loop3A_170 to %parallel_loop3A_171 step %parallel_loop3A_172 iter_args(%parallel_loop3A_178 = %broadcast_in_dim3A_33) -> (vector<16xi32>)  : i32 {
      %parallel_loop3A_179 = arith.constant 16 : i32
      %parallel_loop3A_180 = arith.muli %parallel_loop3A_177, %parallel_loop3A_179 : i32
      %parallel_loop3A_181 = arith.addi %mul3A_169, %parallel_loop3A_180 : i32
      %parallel_loop3A_182 = vector.broadcast %parallel_loop3A_181 : i32 to vector<16xi32>
      %parallel_loop3A_183 = arith.addi %parallel_loop3A_182, %iota3A : vector<16xi32>
      %parallel_loop3A_184 = arith.constant -1640531527 : i32
      %parallel_loop3A_185 = vector.broadcast %parallel_loop3A_184 : i32 to vector<16xi32>
      %parallel_loop3A_186 = arith.addi %parallel_loop3A_183, %parallel_loop3A_185 : vector<16xi32>
      %parallel_loop3A_187 = arith.constant 16 : i32
      %parallel_loop3A_188 = vector.broadcast %parallel_loop3A_187 : i32 to vector<16xi32>
      %parallel_loop3A_189 = arith.shrui %parallel_loop3A_186, %parallel_loop3A_188 : vector<16xi32>
      %parallel_loop3A_190 = arith.xori %parallel_loop3A_186, %parallel_loop3A_189 : vector<16xi32>
      %parallel_loop3A_191 = arith.constant -372640083 : i32
      %parallel_loop3A_192 = vector.broadcast %parallel_loop3A_191 : i32 to vector<16xi32>
      %parallel_loop3A_193 = arith.muli %parallel_loop3A_190, %parallel_loop3A_192 : vector<16xi32>
      %parallel_loop3A_194 = arith.constant 15 : i32
      %parallel_loop3A_195 = vector.broadcast %parallel_loop3A_194 : i32 to vector<16xi32>
      %parallel_loop3A_196 = arith.shrui %parallel_loop3A_193, %parallel_loop3A_195 : vector<16xi32>
      %parallel_loop3A_197 = arith.xori %parallel_loop3A_193, %parallel_loop3A_196 : vector<16xi32>
      %parallel_loop3A_198 = arith.constant 1935933847 : i32
      %parallel_loop3A_199 = vector.broadcast %parallel_loop3A_198 : i32 to vector<16xi32>
      %parallel_loop3A_200 = arith.muli %parallel_loop3A_197, %parallel_loop3A_199 : vector<16xi32>
      %parallel_loop3A_201 = arith.constant 15 : i32
      %parallel_loop3A_202 = vector.broadcast %parallel_loop3A_201 : i32 to vector<16xi32>
      %parallel_loop3A_203 = arith.shrui %parallel_loop3A_200, %parallel_loop3A_202 : vector<16xi32>
      %parallel_loop3A_204 = arith.xori %parallel_loop3A_200, %parallel_loop3A_203 : vector<16xi32>
      %parallel_loop3A_205 = arith.constant -372640083 : i32
      %parallel_loop3A_206 = vector.broadcast %parallel_loop3A_205 : i32 to vector<16xi32>
      %parallel_loop3A_207 = arith.muli %parallel_loop3A_204, %parallel_loop3A_206 : vector<16xi32>
      %parallel_loop3A_208 = arith.constant 1935933847 : i32
      %parallel_loop3A_209 = vector.broadcast %parallel_loop3A_208 : i32 to vector<16xi32>
      %parallel_loop3A_210 = arith.muli %parallel_loop3A_204, %parallel_loop3A_209 : vector<16xi32>
      %parallel_loop3A_211 = arith.constant -372640083 : i32
      %parallel_loop3A_212 = vector.broadcast %parallel_loop3A_211 : i32 to vector<16xi32>
      %parallel_loop3A_213 = arith.muli %parallel_loop3A_204, %parallel_loop3A_212 : vector<16xi32>
      %parallel_loop3A_214 = arith.constant 1935933847 : i32
      %parallel_loop3A_215 = vector.broadcast %parallel_loop3A_214 : i32 to vector<16xi32>
      %parallel_loop3A_216 = arith.muli %parallel_loop3A_213, %parallel_loop3A_215 : vector<16xi32>
      %parallel_loop3A_217 = arith.constant 18 : i32
      %parallel_loop3A_218 = vector.broadcast %parallel_loop3A_217 : i32 to vector<16xi32>
      %parallel_loop3A_219 = arith.shrui %parallel_loop3A_204, %parallel_loop3A_218 : vector<16xi32>
      %parallel_loop3A_220 = arith.constant 2 : i32
      %parallel_loop3A_221 = vector.broadcast %parallel_loop3A_220 : i32 to vector<16xi32>
      %parallel_loop3A_222 = arith.shrui %parallel_loop3A_204, %parallel_loop3A_221 : vector<16xi32>
      %parallel_loop3A_223 = vector.broadcast %parallel_loop3A_173 : i32 to vector<16xi32>
      %parallel_loop3A_224 = arith.andi %parallel_loop3A_222, %parallel_loop3A_223 : vector<16xi32>
      %parallel_loop3A_225 = tpu.vector_load_idx %arg5[%parallel_loop3A_219] : memref<16384xi32, #tpu.memory_space<vmem>>[vector<16xi32>], vector<16xi32>,
      %parallel_loop3A_226 = tpu.vector_load_idx %arg5[%parallel_loop3A_224] : memref<16384xi32, #tpu.memory_space<vmem>>[vector<16xi32>], vector<16xi32>,
      %parallel_loop3A_227 = arith.constant 18 : i32
      %parallel_loop3A_228 = vector.broadcast %parallel_loop3A_227 : i32 to vector<16xi32>
      %parallel_loop3A_229 = arith.shrui %parallel_loop3A_207, %parallel_loop3A_228 : vector<16xi32>
      %parallel_loop3A_230 = arith.constant 2 : i32
      %parallel_loop3A_231 = vector.broadcast %parallel_loop3A_230 : i32 to vector<16xi32>
      %parallel_loop3A_232 = arith.shrui %parallel_loop3A_207, %parallel_loop3A_231 : vector<16xi32>
      %parallel_loop3A_233 = vector.broadcast %parallel_loop3A_173 : i32 to vector<16xi32>
      %parallel_loop3A_234 = arith.andi %parallel_loop3A_232, %parallel_loop3A_233 : vector<16xi32>
      %parallel_loop3A_235 = tpu.vector_load_idx %arg5[%parallel_loop3A_229] : memref<16384xi32, #tpu.memory_space<vmem>>[vector<16xi32>], vector<16xi32>,
      %parallel_loop3A_236 = tpu.vector_load_idx %arg5[%parallel_loop3A_234] : memref<16384xi32, #tpu.memory_space<vmem>>[vector<16xi32>], vector<16xi32>,
      %parallel_loop3A_237 = arith.constant 18 : i32
      %parallel_loop3A_238 = vector.broadcast %parallel_loop3A_237 : i32 to vector<16xi32>
      %parallel_loop3A_239 = arith.shrui %parallel_loop3A_210, %parallel_loop3A_238 : vector<16xi32>
      %parallel_loop3A_240 = arith.constant 2 : i32
      %parallel_loop3A_241 = vector.broadcast %parallel_loop3A_240 : i32 to vector<16xi32>
      %parallel_loop3A_242 = arith.shrui %parallel_loop3A_210, %parallel_loop3A_241 : vector<16xi32>
      %parallel_loop3A_243 = vector.broadcast %parallel_loop3A_173 : i32 to vector<16xi32>
      %parallel_loop3A_244 = arith.andi %parallel_loop3A_242, %parallel_loop3A_243 : vector<16xi32>
      %parallel_loop3A_245 = tpu.vector_load_idx %arg5[%parallel_loop3A_239] : memref<16384xi32, #tpu.memory_space<vmem>>[vector<16xi32>], vector<16xi32>,
      %parallel_loop3A_246 = tpu.vector_load_idx %arg5[%parallel_loop3A_244] : memref<16384xi32, #tpu.memory_space<vmem>>[vector<16xi32>], vector<16xi32>,
      %parallel_loop3A_247 = arith.constant 18 : i32
      %parallel_loop3A_248 = vector.broadcast %parallel_loop3A_247 : i32 to vector<16xi32>
      %parallel_loop3A_249 = arith.shrui %parallel_loop3A_216, %parallel_loop3A_248 : vector<16xi32>
      %parallel_loop3A_250 = arith.constant 2 : i32
      %parallel_loop3A_251 = vector.broadcast %parallel_loop3A_250 : i32 to vector<16xi32>
      %parallel_loop3A_252 = arith.shrui %parallel_loop3A_216, %parallel_loop3A_251 : vector<16xi32>
      %parallel_loop3A_253 = vector.broadcast %parallel_loop3A_173 : i32 to vector<16xi32>
      %parallel_loop3A_254 = arith.andi %parallel_loop3A_252, %parallel_loop3A_253 : vector<16xi32>
      %parallel_loop3A_255 = tpu.vector_load_idx %arg5[%parallel_loop3A_249] : memref<16384xi32, #tpu.memory_space<vmem>>[vector<16xi32>], vector<16xi32>,
      %parallel_loop3A_256 = tpu.vector_load_idx %arg5[%parallel_loop3A_254] : memref<16384xi32, #tpu.memory_space<vmem>>[vector<16xi32>], vector<16xi32>,
      %parallel_loop3A_257 = arith.addi %parallel_loop3A_225, %parallel_loop3A_226 : vector<16xi32>
      %parallel_loop3A_258 = arith.addi %parallel_loop3A_235, %parallel_loop3A_236 : vector<16xi32>
      %parallel_loop3A_259 = arith.addi %parallel_loop3A_257, %parallel_loop3A_258 : vector<16xi32>
      %parallel_loop3A_260 = arith.addi %parallel_loop3A_245, %parallel_loop3A_246 : vector<16xi32>
      %parallel_loop3A_261 = arith.addi %parallel_loop3A_255, %parallel_loop3A_256 : vector<16xi32>
      %parallel_loop3A_262 = arith.addi %parallel_loop3A_260, %parallel_loop3A_261 : vector<16xi32>
      %parallel_loop3A_263 = arith.addi %parallel_loop3A_259, %parallel_loop3A_262 : vector<16xi32>
      %parallel_loop3A_264 = arith.addi %parallel_loop3A_178, %parallel_loop3A_263 : vector<16xi32>
      scf.yield %parallel_loop3A_264 : vector<16xi32>
    } {sc.loop_unroll_factor = 4 : i64, sc.parallel_access}
    %swap3A_175 = arith.constant 0 : index
    %swap3A_176 = tpu.vector_load %arg9[%swap3A_175] {strides = array<i32>} : memref<16xi32, #tpu.memory_space<vmem>>, vector<16xi32>,
    tpu.vector_store %arg9[%swap3A_175], %parallel_loop3A_174 {strides = array<i32>} : memref<16xi32, #tpu.memory_space<vmem>>, vector<16xi32>,
    "tpu.region"() ({
      %run_scoped3A = tpu.sem_alloc : memref<!tpu.dma_semaphore, #tpu.memory_space<semaphore_mem>>
      %dma_start3A = arith.constant 0 : i32
      %dma_start3A_177 = tpu.memref_slice %arg3[%add3A, %dma_start3A] : memref<32x16xi32, #tpu.memory_space<hbm>> -> memref<1x16xi32, #tpu.memory_space<hbm>>
      %dma_start3A_178 = tpu.memref_squeeze %dma_start3A_177 : memref<1x16xi32, #tpu.memory_space<hbm>> -> memref<16xi32, #tpu.memory_space<hbm>>
      %dma_start3A_179 = arith.constant 0 : i32
      %dma_start3A_180 = tpu.memref_slice %arg3[%add3A, %dma_start3A_179] : memref<32x16xi32, #tpu.memory_space<hbm>> -> memref<1x16xi32, #tpu.memory_space<hbm>>
      %dma_start3A_181 = tpu.memref_squeeze %dma_start3A_180 : memref<1x16xi32, #tpu.memory_space<hbm>> -> memref<16xi32, #tpu.memory_space<hbm>>
      tpu.enqueue_dma source(%arg9 : memref<16xi32, #tpu.memory_space<vmem>>) target(%dma_start3A_181 : memref<16xi32, #tpu.memory_space<hbm>>) target_semaphore(%run_scoped3A : memref<!tpu.dma_semaphore, #tpu.memory_space<semaphore_mem>>)
      %dma_wait3A = arith.constant 0 : i32
      %dma_wait3A_182 = tpu.memref_slice %arg3[%add3A, %dma_wait3A] : memref<32x16xi32, #tpu.memory_space<hbm>> -> memref<1x16xi32, #tpu.memory_space<hbm>>
      %dma_wait3A_183 = tpu.memref_squeeze %dma_wait3A_182 : memref<1x16xi32, #tpu.memory_space<hbm>> -> memref<16xi32, #tpu.memory_space<hbm>>
      %dma_wait3A_184 = arith.constant 0 : i32
      %dma_wait3A_185 = tpu.memref_slice %arg3[%add3A, %dma_wait3A_184] : memref<32x16xi32, #tpu.memory_space<hbm>> -> memref<1x16xi32, #tpu.memory_space<hbm>>
      %dma_wait3A_186 = tpu.memref_squeeze %dma_wait3A_185 : memref<1x16xi32, #tpu.memory_space<hbm>> -> memref<16xi32, #tpu.memory_space<hbm>>
      tpu.wait_dma2 semaphore(%run_scoped3A : memref<!tpu.dma_semaphore, #tpu.memory_space<semaphore_mem>>) src(%arg9 : memref<16xi32, #tpu.memory_space<vmem>>) dst(%dma_wait3A_186 : memref<16xi32, #tpu.memory_space<hbm>>)
      tpu.yield
    }) : () -> ()
    return
  }
}

</mosaic_0001>

<sc_bundles>
// kernel: _sc_sample.3.cloned.1.call-start
scs
__scs_entry_jumppad:
0x0: {  	(pc) =	sbr.rel $0x88, $3  }
0x1: {  	(tag) =	ssettag $0x0;
	lr =	simm.s32 $0x1  }
0x2: {  	[smem:$0x3FA0] =	sst lr;
	_ =	strace $0xD0000000  }
0x3: {  	_ = 	snop  }
0x4: {  	_ = 	snop  }
0x5: {  	_ = 	snop  }
0x6: {  	_ = 	snop  }
0x7: {  	_ = 	snop  }
__scs_overlays_trampoline_lowered:
0x8: {  	[smem:$0x3FAF] =	sst s0  }
0x9: {  	[smem:$0x3FB0] =	sst s1  }
0xa: {  	[smem:$0x3FB1] =	sst s2  }
0xb: {  	[smem:$0x3FB2] =	sst s3  }
0xc: {  	[smem:$0x3FB3] =	sst s4  }
0xd: {  	[smem:$0x3FB4] =	sst s5  }
0xe: {  	[smem:$0x3FB5] =	sst s6  }
0xf: {  	[smem:$0x3FB6] =	sst s7  }
0x10: {  	[smem:$0x3FB7] =	sst s8  }
0x11: {  	[smem:$0x3FB8] =	sst s9;
	s0 =	simm.s32 @!p0 $0x0  }
0x12: {  	s1 =	sld [smem:$0x3F9E];
	s0 =	simm.s32 @p0 $0x1  }
0x13: {  	[smem:$0x3FB9] =	sst s0;
	s0 =	simm.s32 @!p1 $0x0  }
0x14: {  	s2 =	sld [smem:$0x3F9D];
	s0 =	simm.s32 @p1 $0x1  }
0x15: {  	[smem:$0x3FBA] =	sst s0;
	s0 =	simm.s32 @!p2 $0x0  }
0x16: {  	s3 =	sld [smem:$0x3FDB];
	s0 =	simm.s32 @p2 $0x1  }
0x17: {  	s4 =	simm.s32 $0x1BF5;
	[smem:$0x3FBC] =	sst s0  }
0x18: {  	s0 =	sld [smem:$0x3F9F];
	_ =	swait.ge [sflag:s4], $0x0  }
0x19: {  	s7 =	sld [smem:$0x3FA0]  }
0x1a: {  	s8 =	sadd.s32 $0xFFFFE003, lr  }
0x1b: {  	s9 =	sadd.s32 $0xFFFFFEF7, lr;
	s5 =	simm.s32 $0xFFFFFFFF;
	p2 =	slt.u32 s8, $0xFFFFF086  }
0x1c: {  	p1 =	slt.u32 s9, $0xF7A;
	s5 =	simm.s32 @!p2 $0x0  }
0x1d: {  	s5 =	simm.s32 @p1 $0x1;
	p0 =	seq.s32 s7, s2  }
0x1e: {  	s7 =	smul.u32 @!p0 $0xF7A, s2;
	p2 =	seq.s32 @!p0 s5, $0x0  }
0x1f: {  	s9 =	smul.u32 $0xF7A, s1;
	s8 =	simm.s32 @!p0 $0x1BF5;
	p2 =	por !p2, p0  }
0x20: {  	[sflag:s8] =	ssyncset.s32 @!p0 $0xFFFFF086;
	s6 =	sadd.s32 @!p0 s3, s7;
	s7 =	simm.s32 @!p0 $0x108  }
0x21: {  	s3 =	sadd.s32 s3, s9;
	s6 =	sadd.s32 @!p0 $0x88, s6;
	s7 =	simm.s32 @p2 $0x1082  }
0x22: {  	[simem:s7], [sflag:s8] =	dma.local @!p0 [hbm:s6], $0xF7A  }
0x23: {  	s9 =	sor.u32 $0xD0000000, s2;
	s6 =	simm.s32 $0x108;
	_ =	swait.ge @!p0 [sflag:s8], $0x0  }
0x24: {  	s3 =	sadd.s32 $0x88, s3;
	s6 =	simm.s32 @!p1 $0x1082;
	[sflag:s4] =	ssyncset.s32 $0xFFFFF086  }
0x25: {  	[simem:s6], [sflag:s4] =	dma.local [hbm:s3], $0xF7A  }
0x26: {  	[smem:$0x3FA0] =	sst s1;
	(tag) =	ssettag s2;
	_ =	strace s9  }
0x27: {  	s1 =	sld [smem:$0x3FB0]  }
0x28: {  	s2 =	sld [smem:$0x3FB1]  }
0x29: {  	s4 =	sld [smem:$0x3FB3]  }
0x2a: {  	p0 =	seq.s32 s5, $0x0;
	s5 =	sld [smem:$0x3FB4]  }
0x2b: {  	s6 =	sld [smem:$0x3FB5]  }
0x2c: {  	s7 =	sld [smem:$0x3FB6]  }
0x2d: {  	s3 =	simm.s32 $0x108;
	s8 =	sld [smem:$0x3FB7]  }
0x2e: {  	s3 =	simm.s32 @!p0 $0x1082;
	s9 =	sld [smem:$0x3FB8]  }
0x2f: {  	lr =	sadd.s32 s0, s3;
	s0 =	sld [smem:$0x3FAF]  }
0x30: {  	s3 =	sld [smem:$0x3FB2]  }
0x31: {  	[smem:$0x3FBB] =	sst s10  }
0x32: {  	s10 =	sld [smem:$0x3FB9];
	_ =	sdelay $0x3  }
0x33: {  	p0 =	seq.s32 s10, $0x1;
	s10 =	sld [smem:$0x3FBB];
	_ =	sdelay $0x3  }
0x34: {  	[smem:$0x3FBB] =	sst s10  }
0x35: {  	s10 =	sld [smem:$0x3FBA];
	_ =	sdelay $0x3  }
0x36: {  	p1 =	seq.s32 s10, $0x1;
	s10 =	sld [smem:$0x3FBB];
	_ =	sdelay $0x3  }
0x37: {  	[smem:$0x3FBB] =	sst s10  }
0x38: {  	s10 =	sld [smem:$0x3FBC]  }
0x39: {  	_ = 	snop;
	(pc) =	sbr.ind lr, $3  }
0x3a: {  	_ = 	snop  }
0x3b: {  	_ = 	snop  }
0x3c: {  	p2 =	seq.s32 s10, $0x1;
	s10 =	sld [smem:$0x3FBB]  }
0x3d: {  	_ =	shalt  }
0x3e: {  	_ =	shalt  }
0x3f: {  	_ =	shalt  }
0x40: {  	_ =	shalt  }
0x41: {  	_ =	shalt  }
0x42: {  	_ =	shalt  }
0x43: {  	_ =	shalt  }
0x44: {  	_ =	shalt  }
0x45: {  	_ =	shalt  }
0x46: {  	_ =	shalt  }
0x47: {  	_ =	shalt  }
0x48: {  	_ =	shalt  }
0x49: {  	_ =	shalt  }
0x4a: {  	_ =	shalt  }
0x4b: {  	_ =	shalt  }
0x4c: {  	_ =	shalt  }
0x4d: {  	_ =	shalt  }
0x4e: {  	_ =	shalt  }
0x4f: {  	_ =	shalt  }
0x50: {  	_ =	shalt  }
0x51: {  	_ =	shalt  }
0x52: {  	_ =	shalt  }
0x53: {  	_ =	shalt  }
0x54: {  	_ =	shalt  }
0x55: {  	_ =	shalt  }
0x56: {  	_ =	shalt  }
0x57: {  	_ =	shalt  }
0x58: {  	_ =	shalt  }
0x59: {  	_ =	shalt  }
0x5a: {  	_ =	shalt  }
0x5b: {  	_ =	shalt  }
0x5c: {  	_ =	shalt  }
0x5d: {  	_ =	shalt  }
0x5e: {  	_ =	shalt  }
0x5f: {  	_ =	shalt  }
0x60: {  	_ =	shalt  }
0x61: {  	_ =	shalt  }
0x62: {  	_ =	shalt  }
0x63: {  	_ =	shalt  }
0x64: {  	_ =	shalt  }
0x65: {  	_ =	shalt  }
0x66: {  	_ =	shalt  }
0x67: {  	_ =	shalt  }
0x68: {  	_ =	shalt  }
0x69: {  	_ =	shalt  }
0x6a: {  	_ =	shalt  }
0x6b: {  	_ =	shalt  }
0x6c: {  	_ =	shalt  }
0x6d: {  	_ =	shalt  }
0x6e: {  	_ =	shalt  }
0x6f: {  	_ =	shalt  }
0x70: {  	_ =	shalt  }
0x71: {  	_ =	shalt  }
0x72: {  	_ =	shalt  }
0x73: {  	_ =	shalt  }
0x74: {  	_ =	shalt  }
0x75: {  	_ =	shalt  }
0x76: {  	_ =	shalt  }
0x77: {  	_ =	shalt  }
0x78: {  	_ =	shalt  }
0x79: {  	_ =	shalt  }
0x7a: {  	_ =	shalt  }
0x7b: {  	_ =	shalt  }
0x7c: {  	_ =	shalt  }
0x7d: {  	_ =	shalt  }
0x7e: {  	_ =	shalt  }
0x7f: {  	_ =	shalt  }
0x80: {  	_ =	shalt  }
0x81: {  	_ =	shalt  }
0x82: {  	_ =	shalt  }
0x83: {  	_ =	shalt  }
0x84: {  	_ =	shalt  }
0x85: {  	_ =	shalt  }
0x86: {  	_ =	shalt  }
0x87: {  	_ =	shalt  }
.Lfunc_end0:
.L_simem_size_0:
called_computation_lowered:
.L_overlay_start_0:
0x88: {  	s2 =	sld [smem:$0x3FD9]  }
0x89: {  	s3 =	sld [smem:$0x3FFE];
	_ =	sdelay $0x1  }
0x8a: {  	s1 =	srdreg.scid  }
0x8b: {  	s0 =	sand.u32 $0x1, s1  }
0x8c: {  	s16 =	sshll.u32 s0, $0xA;
	s2 =	sadd.s32 s3, s2  }
0x8d: {  	s2 =	sadd.s32 s2, s16  }
0x8e: {  	[smem:$0x3FC7] =	sst s2  }
0x8f: {  	_ = 	snop  }
0x90: {  	(tm) =	ssettm $0x1  }
0x91: {  	s17 =	sld [smem:$0x3FFB];
	_ =	sdelay $0x3  }
0x92: {  	_ =	strace s17  }
0x93: {  	s2 =	sld [smem:$0x3FFC];
	_ =	sdelay $0x3  }
0x94: {  	_ =	strace s2  }
0x95: {  	s2 =	sld [smem:$0x3FFD];
	_ =	sdelay $0x3  }
0x96: {  	_ =	strace s2  }
0x97: {  	_ =	strace $0x8FFFFFFF  }
0x98: {  	s18 =	sld [smem:$0x3FDB];
	_ =	sdelay $0x1  }
0x99: {  	s19 =	simm.s32 $_scs_section_size  }
0x9a: {  	s4 =	simm.s32 $_size__tile_overlayer_lowered;
	s5 =	simm.s32 $_tile_overlayer_lowered  }
0x9b: {  	s22 =	simm.s32 $0x1BFF;
	s21 =	sshll.u32 s5, $0x1;
	s2 =	sadd.s32 s19, s18  }
0x9c: {  	s6 =	simm.s32 $0x0;
	s20 =	sshll.u32 s4, $0x1;
	s4 =	sadd.s32 s21, s2  }
0x9d: {  	[timem:s6], [sflag:s22] =	dma.local [hbm:s4], s20  }
0x9e: {  	_ =	swait.ge [sflag:s22], s20  }
0x9f: {  	s3 =	ssub.s32 $0x0, s20;
	[sflag:s22] =	ssyncset.done $0x0  }
0xa0: {  	[sflag:s22] =	ssyncadd.s32 s3;
	_ =	sdelay $0x1  }
0xa1: {  	s23 =	simm.s32 $0x1B8B  }
0xa2: {  	_ =	swait.ge [sflag:s23], $0x1  }
0xa3: {  	[sflag:s23] =	ssyncset.done $0x0  }
0xa4: {  	s25 =	simm.s32 $0x1B8E;
	s24 =	sld [smem:$0x3FFE];
	[sflag:s23] =	ssyncadd.s32 $0xFFFFFFFF  }
0xa5: {  	s26 =	simm.s32 $execute0_lowered;
	[smem:$0x3FD2] =	sst s25  }
0xa6: {  	s4 =	sshll.u32 s26, $0x1;
	_ =	strace $0x80000046;
	[dreg:$0x1] =	wrdreg $0xFFFFFFFF  }
0xa7: {  	s28 =	simm.s32 $_size_execute0_lowered;
	s2 =	sadd.s32 s2, s4;
	[dreg:$0x0] =	wrdreg $0x0  }
0xa8: {  	s4 =	sshll.u32 s28, $0x1;
	[dreg:$0x2] =	wrdreg s2  }
0xa9: {  	[dreg:$0x3] =	wrdreg s4  }
0xaa: {  	[dreg:$0x4] =	wrdreg $0xC0  }
0xab: {  	_ =	task [dreg:s6], $0x5FFFF  }
0xac: {  	[dreg:$0x1] =	wrdreg $0xFFFFFFFF  }
0xad: {  	[dreg:$0x0] =	wrdreg $0x60  }
0xae: {  	[dreg:$0x2] =	wrdreg s24  }
0xaf: {  	[dreg:$0x3] =	wrdreg $0x163000  }
0xb0: {  	[dreg:$0x4] =	wrdreg $0x163200  }
0xb1: {  	[dreg:$0x5] =	wrdreg $0x9  }
0xb2: {  	_ =	task.clear_ibuf [dreg:s6], $0x6FFFF;
	_ =	strace $0x90000046  }
0xb3: {  	s29 =	simm.s32 $0x9;
	_ =	strace $0x80000048  }
0xb4: {  	_ =	swait.ge [sflag:s29], $0x1  }
0xb5: {  	[sflag:s29] =	ssyncadd.s32 $0xFFFFFFFF  }
0xb6: {  	_ =	strace $0x90000048  }
0xb7: {  	_ =	sfence  }
0xb8: {  	s30 =	sld [smem:$0x0];
	_ =	sdelay $0x2  }
0xb9: {  	s31 =	sshll.u32 s1, $0xD;
	s1 =	sshrl.u32 s1, $0x2  }
0xba: {  	s3 =	sand.u32 $0x4000, s31;
	s1 =	sadd.s32 s1, s30  }
0xbb: {  	s0 =	sor.u32 s3, s0;
	s1 =	sshll.u32 s1, $0x11  }
0xbc: {  	s0 =	sor.u32 s1, s0  }
0xbd: {  	s0 =	sadd.s32 $0x8F2B, s0  }
0xbe: {  	[sflag:s0] =	ssyncadd.remote.s32 $0x1  }
0xbf: {  	_ =	sfence.sel $0xFFFF  }
0xc0: {  	[dreg:$0x0] =	wrdreg $0xFFFFFFFF;
	(pc) =	sbr.abs _section_cstart, $3  }
0xc1: {  	[dreg:$0x1] =	wrdreg $0xFFFFFFFF  }
0xc2: {  	_ =	task.clear_ibuf [dreg:s6], $0x2FFFF;
	_ =	strace $0x9FFFFFFF  }
0xc3: {  	(tm) =	ssettm $0x7FFFFFFF  }
tec
execute0_lowered:
.L_overlay_start_1:
0x0: {  	(tag) =	ssettag $0x1  }
0x1: {  	v0 =	vimm.s32 $0x5B8E;
	vm14 =	vcmask $0x300  }
0x2: {  	vm13 =	vcmask $0x704;
	v0 =	vsel vm14, $0x0, v0  }
0x3: {  	vm12 =	vcmask $0xB08;
	s3 =	rddreg [dreg:$0x0];
	v0 =	vsel vm13, $0x61B, v0  }
0x4: {  	vm11 =	vcmask $0xF0C;
	s5 =	rddreg [dreg:$0x1];
	v0 =	vsel vm12, $0xC36, v0  }
0x5: {  	s0 =	srdreg.scid;
	vm10 =	vcmask $0x1310;
	s13 =	rddreg [dreg:$0x2];
	s2 =	simm.s32 $0x0;
	v0 =	vsel vm11, $0x1251, v0  }
0x6: {  	vm9 =	vcmask $0x1714;
	s12 =	sand.u32 $0x1, s0;
	s0 =	stileid.u32;
	[smem:$0x7FF] =	sst s2;
	v0 =	vsel vm10, $0x186C, v0  }
0x7: {  	vm8 =	vcmask $0x1B18;
	s1 =	sshll.u32 s12, $0x4;
	s6 =	sshll.u32 s0, $0x7;
	_ =	strace $0x80000047;
	v0 =	vsel vm9, $0x1E87, v0  }
0x8: {  	vm7 =	vcmask $0x1F1C;
	s19 =	sand.u32 $0x3, s0;
	s10 =	ssub.s32 $0x2, s12;
	s20 =	sadd.s32 $0x1, s0;
	v0 =	vsel vm8, $0x24A2, v0  }
0x9: {  	vm6 =	vcmask $0x2320;
	s24 =	sadd.s32 $0xFFFFFFFF, s0;
	s4 =	sor.u32 s0, s1;
	s9 =	sand.u32 $0x380, s6;
	v0 =	vsel vm7, $0x2ABD, v0  }
0xa: {  	vm4 =	vcmask $0x2724;
	s16 =	sshrl.u32 s10, $0x1;
	s22 =	sxor.u32 $0x2, s19;
	p0 =	seq.s32 s19, $0x3;
	v0 =	vsel vm6, $0x30D8, v0  }
0xb: {  	vm2 =	vcmask $0x2B28;
	vm0 =	vcmask $0x2F2C;
	p1 =	sgt.u32 s19, $0x1;
	p2 =	seq.s32 s19, $0x0;
	s8 =	sshrl.u32 s4, $0x3;
	v0 =	vsel vm4, $0x36F2, v0  }
0xc: {  	vm1 =	vcmask $0x3330;
	vm3 =	vcmask $0x3734;
	s31 =	ssub.s32 s4, s19;
	s15 =	ssub.s32 s10, s16;
	s18 =	sshll.u32 s4, $0x7;
	v0 =	vsel vm2, $0x3D0C, v0  }
0xd: {  	v1 =	vimm.s32 $0x61A7;
	v4 =	vimm.s32 $0x61A9;
	s10 =	sand.u32 $0x3, s20;
	s19 =	simm.s32 $0x16280;
	s20 =	simm.s32 $0x6200;
	v0 =	vsel vm0, $0x4326, v0  }
0xe: {  	vm5 =	vcmask $0x3B38;
	v4 =	vsel vm14, $0x61B, v4;
	s28 =	smul.u32 $0x31000, s8;
	s29 =	sshll.u32 s8, $0xA;
	s17 =	sshll.u32 s31, $0x9;
	v0 =	vsel vm1, $0x4940, v0  }
0xf: {  	v3 =	vsel vm14, $0x61A, v1;
	v4 =	vsel vm13, $0xC36, v4;
	s11 =	sshll.u32 s8, $0x11;
	s10 =	sadd.s32 s10, s31;
	s23 =	sadd.s32 s22, s31;
	v2 =	vsel vm3, $0x4F5A, v0  }
0x10: {  	s22 =	simm.s32 $0xE200;
	s30 =	sor.u32 s9, s29;
	s11 =	sadd.s32 s11, s13;
	v1 =	vsel vm5, $0x5574, v2;
	v2 =	vsel vm13, $0xC35, v3;
	v3 =	vimm.s32 $0x5B8F  }
0x11: {  	v5 =	vlaneseq.u32;
	v4 =	vsel vm12, $0x1251, v4;
	s16 =	sshll.u32 s10, $0xE;
	s10 =	sshll.u32 s10, $0x7;
	s29 =	sshll.u32 s12, $0x13;
	v3 =	vsel vm14, $0x1, v3  }
0x12: {  	v5 =	vadd.s32 $0x9E3779B9, v5;
	v4 =	vsel vm11, $0x186C, v4;
	s1 =	sor.u32 s9, s28;
	s6 =	sshrl.u32 s30, $0x3;
	s9 =	sadd.s32 s9, s11;
	v3 =	vsel vm13, $0x61C, v3  }
0x13: {  	v4 =	vsel vm10, $0x1E87, v4;
	s21 =	sand.u32 $0xFFFE0000, s16;
	s10 =	sand.u32 $0x380, s10;
	s16 =	sand.u32 $0x3, s24;
	v2 =	vsel vm12, $0x1250, v2;
	v3 =	vsel vm12, $0xC37, v3  }
0x14: {  	v4 =	vsel vm9, $0x24A2, v4;
	s30 =	sshll.u32 s0, $0xF;
	s24 =	simm.s32 $0x16200;
	s1 =	sshrl.u32 s1, $0x3;
	v2 =	vsel vm11, $0x186B, v2;
	v3 =	vsel vm11, $0x1252, v3  }
0x15: {  	v4 =	vsel vm8, $0x2ABD, v4;
	s14 =	sadd.s32 s6, s3;
	s6 =	sshra.s32 s17, $0x2;
	s11 =	sadd.s32 s21, s13;
	v2 =	vsel vm10, $0x1E86, v2;
	v3 =	vsel vm10, $0x186D, v3  }
0x16: {  	s17 =	sshll.u32 s23, $0xE;
	v4 =	vsel vm7, $0x30D8, v4;
	s7 =	sadd.s32 s1, s3;
	s4 =	sadd.s32 s6, s5;
	v2 =	vsel vm9, $0x24A1, v2;
	v3 =	vsel vm9, $0x1E88, v3  }
0x17: {  	s5 =	sadd.s32 s18, s5;
	s10 =	sadd.s32 s10, s11;
	s11 =	sshll.u32 s23, $0x7;
	v4 =	vsel vm6, $0x36F3, v4;
	v2 =	vsel vm8, $0x2ABC, v2;
	v3 =	vsel vm8, $0x24A3, v3  }
0x18: {  	s17 =	sand.u32 $0xFFFE0000, s17;
	s1 =	sadd.s32 s16, s31;
	s31 =	sor.u32 s30, s29;
	v4 =	vsel vm4, $0x3D0D, v4;
	v2 =	vsel vm7, $0x30D7, v2;
	v3 =	vsel vm7, $0x2ABE, v3  }
0x19: {  	s16 =	simm.s32 $0x80;
	s18 =	simm.s32 $0x1;
	s23 =	simm.s32 $0x12200;
	v4 =	vsel vm2, $0x4327, v4;
	v2 =	vsel vm6, $0x36F2, v2;
	v3 =	vsel vm6, $0x30D9, v3  }
0x1a: {  	s3 =	sadd.s32 $0x400, s7;
	s6 =	sadd.s32 $0x80, s4;
	s7 =	sadd.s32 $0x100, s4;
	v4 =	vsel vm0, $0x4941, v4;
	v2 =	vsel vm4, $0x3D0C, v2;
	v3 =	vsel vm4, $0x36F3, v3  }
0x1b: {  	s8 =	sadd.s32 $0x180, s4;
	s11 =	sand.u32 $0x380, s11;
	s26 =	sshll.u32 s1, $0xE;
	v4 =	vsel vm1, $0x4F5B, v4;
	v2 =	vsel vm2, $0x4326, v2;
	v3 =	vsel vm2, $0x3D0D, v3  }
0x1c: {  	s25 =	sadd.s32 s17, s13;
	s1 =	sshll.u32 s1, $0x7;
	s28 =	sand.u32 $0xFFFE0000, s26;
	v0 =	vimm.s32 $0x0;
	v2 =	vsel vm0, $0x4940, v2;
	v3 =	vsel vm0, $0x4327, v3  }
0x1d: {  	s17 =	simm.s32 $0x400;
	s1 =	sand.u32 $0x380, s1;
	s13 =	sadd.s32 s28, s13;
	v4 =	vsel vm3, $0x5575, v4;
	v2 =	vsel vm1, $0x4F5A, v2;
	v3 =	vsel vm1, $0x4941, v3  }
0x1e: {  	s11 =	sadd.s32 s11, s25;
	s25 =	simm.s32 $0x0;
	s12 =	sadd.s32 s1, s13;
	v4 =	vsel vm5, $0x5B8F, v4;
	v2 =	vsel vm3, $0x5574, v2;
	v3 =	vsel vm3, $0x4F5B, v3  }
0x1f: {  	s13 =	sadd.s32 $0x18C00, s14;
	s14 =	smax.u32 s15, $0x1;
	s15 =	sor.u32 $0x30, s31;
	vm0 =	vmmov $0xff;
	v2 =	vsel vm5, $0x5B8E, v2;
	v3 =	vsel vm5, $0x5575, v3  }
.LBB2_1:
0x20: {  	[tilespmem:s2], [sflag:$0x1] =	stream.strided.gather [hbm4b:s3+s16], $0x6200, s17, s16, $0x38;
	[tilespmem:$0x1E320] =	vst v63  }
0x21: {  	_ =	swait.ge [sflag:s18], $0x6200  }
0x22: {  	[sflag:s18] =	ssyncset.done $0x0  }
0x23: {  	s1 =	simm.s32 $0x6220;
	[sflag:s18] =	ssyncadd.s32 $0xFFFF9E00  }
0x24: {  	[tilespmem:s1+$0xFFFFFFE0] =	vst v0  }
0x25: {  	[tilespmem:s1+$0x10] =	vst v0  }
0x26: {  	s26 =	simm.s32 $0x0;
	[tilespmem:s1+$0x0] =	vst v0  }
.LBB2_2:
0x27: {  	s26 =	sadd.s32 $0x4, s26  }
0x28: {  	[tilespmem:s1+$0xFFFFFFF0] =	vst v0;
	s1 =	sadd.s32 $0x40, s1;
	v6 =	vimm.f32 $0.0e+00;
	p3 =	slt.u32 s26, $0x3FC  }
.Ltmp0:
0x29: {  	[tilespmem:s1+$0xFFFFFFE0] =	vst v0;
	(pc) =	sbr.rel @p3 .LBB2_2-.Ltmp0, $3  }
0x2a: {  	_ =	sdelay $0x1  }
0x2b: {  	[tilespmem:s1+$0x10] =	vst v0  }
0x2c: {  	[tilespmem:s1+$0x0] =	vst v0  }
0x2d: {  	s26 =	simm.s32 $0x0  }
0x2e: {  	v7 =	vadd.s32 s26, v1  }
0x2f: {  	s21 =	simm.s32 $0x1  }
0x30: {  	v8 =	vadd.s32 s21, v1  }
0x31: {  	s29 =	simm.s32 $0x2  }
0x32: {  	[tilespmem:s1+$0xFFFFFFF0] =	vst v0;
	v9 =	vadd.s32 s29, v1  }
0x33: {  	s30 =	simm.s32 $0x3;
	v7 =	vld.idx.msk [tilespmem:v7+s2+$0x0], $0xffff  }
0x34: {  	v10 =	vadd.s32 s30, v1  }
0x35: {  	s31 =	simm.s32 $0x4;
	v8 =	vld.idx.msk [tilespmem:v8+s2+$0x0], $0xffff  }
0x36: {  	v11 =	vadd.s32 s31, v1  }
0x37: {  	s0 =	simm.s32 $0x5;
	v9 =	vld.idx.msk [tilespmem:v9+s2+$0x0], $0xffff  }
0x38: {  	v12 =	vadd.s32 s0, v1;
	v6 =	vadd.f32 v7, v6  }
0x39: {  	s21 =	simm.s32 $0x6;
	v7 =	vld.idx.msk [tilespmem:v10+s2+$0x0], $0xffff  }
0x3a: {  	v6 =	vadd.f32 v8, v6;
	v8 =	vadd.s32 s21, v1  }
0x3b: {  	s26 =	simm.s32 $0x7;
	v10 =	vld.idx.msk [tilespmem:v11+s2+$0x0], $0xffff  }
0x3c: {  	v11 =	vadd.s32 s26, v1;
	v6 =	vadd.f32 v9, v6  }
0x3d: {  	s29 =	simm.s32 $0x8;
	v12 =	vld.idx.msk [tilespmem:v12+s2+$0x0], $0xffff  }
0x3e: {  	s30 =	simm.s32 $0x9;
	v13 =	vadd.s32 s29, v1;
	v7 =	vadd.f32 v7, v6  }
0x3f: {  	v9 =	vadd.s32 s30, v1;
	v6 =	vld.idx.msk [tilespmem:v8+s2+$0x0], $0xffff  }
0x40: {  	s31 =	simm.s32 $0xA;
	v8 =	vadd.f32 v10, v7  }
0x41: {  	v7 =	vld.idx.msk [tilespmem:v11+s2+$0x0], $0xffff;
	v10 =	vadd.s32 s31, v1  }
0x42: {  	s26 =	simm.s32 $0xB;
	v12 =	vadd.f32 v12, v8  }
0x43: {  	s28 =	simm.s32 $0x16;
	v11 =	vadd.s32 s26, v1;
	v8 =	vld.idx.msk [tilespmem:v13+s2+$0x0], $0xffff  }
.LBB2_4:
0x44: {  	p3 =	slt.u32 s28, $0x60F;
	s1 =	sadd.s32 $0x1, s26;
	v6 =	vadd.f32 v6, v12;
	v9 =	vld.idx.msk [tilespmem:v9+s2+$0x0], $0xffff  }
0x45: {  	v12 =	vadd.s32 s1, v1  }
0x46: {  	s1 =	sadd.s32 $0x2, s26;
	v6 =	vadd.f32 v7, v6;
	v7 =	vld.idx.msk [tilespmem:v10+s2+$0x0], $0xffff  }
0x47: {  	v10 =	vadd.s32 s1, v1  }
0x48: {  	s1 =	sadd.s32 $0x3, s26;
	v11 =	vld.idx.msk [tilespmem:v11+s2+$0x0], $0xffff;
	v6 =	vadd.f32 v8, v6  }
0x49: {  	v8 =	vadd.s32 s1, v1  }
0x4a: {  	s1 =	sadd.s32 $0x4, s26;
	v12 =	vld.idx.msk [tilespmem:v12+s2+$0x0], $0xffff;
	v6 =	vadd.f32 v9, v6  }
0x4b: {  	v9 =	vadd.s32 s1, v1  }
0x4c: {  	s1 =	sadd.s32 $0x5, s26;
	v10 =	vld.idx.msk [tilespmem:v10+s2+$0x0], $0xffff;
	v6 =	vadd.f32 v7, v6  }
0x4d: {  	v7 =	vadd.s32 s1, v1  }
0x4e: {  	s1 =	sadd.s32 $0x6, s26;
	v6 =	vadd.f32 v11, v6;
	v8 =	vld.idx.msk [tilespmem:v8+s2+$0x0], $0xffff  }
0x4f: {  	v11 =	vadd.s32 s1, v1  }
0x50: {  	s1 =	sadd.s32 $0x7, s26;
	v6 =	vadd.f32 v12, v6;
	v12 =	vld.idx.msk [tilespmem:v9+s2+$0x0], $0xffff  }
0x51: {  	v13 =	vadd.s32 s1, v1  }
0x52: {  	s1 =	sadd.s32 $0x8, s26;
	v6 =	vadd.f32 v10, v6;
	v14 =	vld.idx.msk [tilespmem:v7+s2+$0x0], $0xffff  }
0x53: {  	v15 =	vadd.s32 s1, v1  }
0x54: {  	s1 =	sadd.s32 $0x9, s26;
	v7 =	vadd.f32 v8, v6;
	v6 =	vld.idx.msk [tilespmem:v11+s2+$0x0], $0xffff  }
.Ltmp1:
0x55: {  	v9 =	vadd.s32 s1, v1;
	(pc) =	sbr.rel @p3 .LBB2_4-.Ltmp1, $4  }
0x56: {  	s1 =	sadd.s32 $0xA, s26;
	s26 =	smov.u32 s28;
	v8 =	vadd.f32 v12, v7;
	v7 =	vld.idx.msk [tilespmem:v13+s2+$0x0], $0xffff  }
0x57: {  	v10 =	vadd.s32 s1, v1  }
0x58: {  	v12 =	vadd.f32 v14, v8;
	v8 =	vld.idx.msk [tilespmem:v15+s2+$0x0], $0xffff  }
0x59: {  	s28 =	sadd.s32 $0xB, s28;
	v11 =	vadd.s32 s26, v1  }
0x5a: {  	_ =	sdelay $0x2  }
0x5b: {  	v6 =	vadd.f32 v6, v12  }
0x5c: {  	s1 =	sadd.s32 $0x1, s26;
	v9 =	vld.idx.msk [tilespmem:v9+s2+$0x0], $0xffff  }
0x5d: {  	v12 =	vadd.s32 s1, v1;
	v6 =	vadd.f32 v7, v6  }
0x5e: {  	s0 =	sadd.s32 $0x2, s26;
	v7 =	vld.idx.msk [tilespmem:v10+s2+$0x0], $0xffff  }
0x5f: {  	v10 =	vadd.s32 s0, v1;
	v6 =	vadd.f32 v8, v6  }
0x60: {  	s21 =	sadd.s32 $0x3, s26;
	v8 =	vld.idx.msk [tilespmem:v11+s2+$0x0], $0xffff  }
0x61: {  	v11 =	vadd.s32 s21, v1;
	v6 =	vadd.f32 v9, v6  }
0x62: {  	s31 =	sadd.s32 $0x4, s26;
	v9 =	vld.idx.msk [tilespmem:v12+s2+$0x0], $0xffff  }
0x63: {  	v12 =	vadd.s32 s31, v1;
	v6 =	vadd.f32 v7, v6  }
0x64: {  	s0 =	sadd.s32 $0x5, s26;
	v7 =	vld.idx.msk [tilespmem:v10+s2+$0x0], $0xffff  }
0x65: {  	v10 =	vadd.s32 s0, v1;
	v6 =	vadd.f32 v8, v6  }
0x66: {  	s21 =	sadd.s32 $0x6, s26;
	v8 =	vld.idx.msk [tilespmem:v11+s2+$0x0], $0xffff  }
0x67: {  	v11 =	vadd.s32 s21, v1;
	v6 =	vadd.f32 v9, v6  }
0x68: {  	s31 =	sadd.s32 $0x7, s26;
	v9 =	vld.idx.msk [tilespmem:v12+s2+$0x0], $0xffff  }
0x69: {  	v12 =	vadd.s32 s31, v1;
	v6 =	vadd.f32 v7, v6  }
0x6a: {  	s0 =	sadd.s32 $0x8, s26;
	v7 =	vld.idx.msk [tilespmem:v10+s2+$0x0], $0xffff  }
0x6b: {  	v10 =	vadd.s32 s0, v1;
	v6 =	vadd.f32 v8, v6  }
0x6c: {  	s21 =	sadd.s32 $0x9, s26;
	v8 =	vld.idx.msk [tilespmem:v11+s2+$0x0], $0xffff  }
0x6d: {  	v11 =	vadd.s32 s21, v1;
	v6 =	vadd.f32 v9, v6  }
0x6e: {  	s26 =	sadd.s32 $0xA, s26;
	v9 =	vld.idx.msk [tilespmem:v12+s2+$0x0], $0xffff  }
0x6f: {  	v12 =	vadd.s32 s26, v1;
	v6 =	vadd.f32 v7, v6  }
0x70: {  	v7 =	vld.idx.msk [tilespmem:v10+s2+$0x0], $0xffff  }
0x71: {  	v6 =	vadd.f32 v8, v6  }
0x72: {  	v8 =	vld.idx.msk [tilespmem:v11+s2+$0x0], $0xffff  }
0x73: {  	v6 =	vadd.f32 v9, v6  }
0x74: {  	s26 =	simm.s32 $0x0;
	v9 =	vld.idx.msk [tilespmem:v12+s2+$0x0], $0xffff  }
0x75: {  	v6 =	vadd.f32 v7, v6;
	v7 =	vld.idx.msk [tilespmem:v2+s26+$0x0], $0xffff;
	_ =	sdelay $0x1  }
0x76: {  	v6 =	vadd.f32 v8, v6;
	_ =	sdelay $0x1  }
0x77: {  	v8 =	vadd.f32 v9, v6  }
0x78: {  	v6 =	vnsel vm0, $0x0, v7  }
0x79: {  	v7 =	vadd.f32 v6, v8;
	_ =	sdelay $0x1  }
0x7a: {  	(xrf2) =	vadd.scan.msk.f32 $0xffff, v7;
	_ =	sdelay $0x9  }
0x7b: {  	v8, _, _ =	vpop (xrf2)  }
0x7c: {  	(xrf0) =	vmax.scan.msk.f32 $0xffff, v8;
	_ =	sdelay $0x5  }
0x7d: {  	v9, _, _ =	vpop (xrf0)  }
0x7e: {  	v9 =	vadd.f32 $0.0e+00, v9;
	_ =	sdelay $0x1  }
0x7f: {  	v9 =	vbroadcast v9, $0xF;
	_ =	sdelay $0x1  }
0x80: {  	[tilespmem:$0x16280] =	vst v9  }
0x81: {  	[spmem:s5] =	stream.linear.scatter [tilespmem:s19], [sflag:$0x1], $0x80, $0x38;
	[tilespmem:$0x1E320] =	vst v63  }
0x82: {  	_ =	swait.ge [sflag:s18], $0x80  }
0x83: {  	[sflag:s18] =	ssyncset.done $0x0  }
0x84: {  	[sflag:s18] =	ssyncadd.s32 $0xFFFFFF80  }
0x85: {  	[bflag:$0x0] =	sbarrier.arrive $0xFFFF  }
0x86: {  	[tilespmem:s19], [sflag:$0x1] =	stream.linear.gather [spmem:s4], $0x80, $0x38;
	[tilespmem:$0x1E320] =	vst v63  }
0x87: {  	_ =	swait.ge [sflag:s18], $0x80  }
0x88: {  	[sflag:s18] =	ssyncset.done $0x0  }
0x89: {  	[sflag:s18] =	ssyncadd.s32 $0xFFFFFF80  }
0x8a: {  	v9 =	vld [tilespmem:$0x16280];
	[tilespmem:s19], [sflag:$0x1] =	stream.linear.gather [spmem:s6], $0x80, $0x38  }
0x8b: {  	_ =	swait.ge [sflag:s18], $0x80  }
0x8c: {  	[sflag:s18] =	ssyncset.done $0x0  }
0x8d: {  	[sflag:s18] =	ssyncadd.s32 $0xFFFFFF80  }
0x8e: {  	v10 =	vld [tilespmem:$0x16280];
	[tilespmem:s19], [sflag:$0x1] =	stream.linear.gather [spmem:s7], $0x80, $0x38  }
0x8f: {  	_ =	swait.ge [sflag:s18], $0x80  }
0x90: {  	[sflag:s18] =	ssyncset.done $0x0  }
0x91: {  	[sflag:s18] =	ssyncadd.s32 $0xFFFFFF80  }
0x92: {  	v11 =	vld [tilespmem:$0x16280];
	[tilespmem:s19], [sflag:$0x1] =	stream.linear.gather [spmem:s8], $0x80, $0x38  }
0x93: {  	_ =	swait.ge [sflag:s18], $0x80  }
0x94: {  	[sflag:s18] =	ssyncset.done $0x0  }
0x95: {  	v9 =	vadd.f32 $0.0e+00, v9;
	[sflag:s18] =	ssyncadd.s32 $0xFFFFFF80  }
0x96: {  	v12 =	vld [tilespmem:$0x16280]  }
0x97: {  	v13 =	vadd.f32 v10, v9;
	_ =	sdelay $0x1  }
0x98: {  	v13 =	vadd.f32 v11, v13;
	_ =	sdelay $0x1  }
0x99: {  	v12 =	vadd.f32 v12, v13;
	_ =	sdelay $0x1  }
0x9a: {  	(erf) = vrcp.f32 v12  }
0x9b: {  	v12 =	vadd.s32 s26, v1  }
0x9c: {  	s31 =	simm.s32 $0x1  }
0x9d: {  	v13 =	vadd.s32 s31, v1  }
0x9e: {  	s28 =	simm.s32 $0x2;
	v9 =	vpsel p2, $0x0, v9;
	v10 =	vpsel !p1, $0x0, v10  }
0x9f: {  	v9 =	vadd.f32 v10, v9;
	v10 =	vadd.s32 s28, v1  }
0xa0: {  	s29 =	simm.s32 $0x3;
	v11 =	vpsel !p0, $0x0, v11;
	v12 =	vld.idx.msk [tilespmem:v12+s2+$0x0], $0xffff  }
0xa1: {  	v7 =	vsub.f32 v8, v7;
	v8 =	vadd.f32 v11, v9;
	v9 =	vadd.s32 s29, v1  }
0xa2: {  	s30 =	simm.s32 $0x4;
	v11 =	vld.idx.msk [tilespmem:v13+s2+$0x0], $0xffff  }
0xa3: {  	v14 =	vadd.s32 s30, v1;
	v7 =	vadd.f32 v8, v7;
	v13 =	vpop (erf)  }
0xa4: {  	v20 =	vadd.s32 s28, v3;
	s0 =	simm.s32 $0x5;
	v8 =	vmul.f32 $1.638400000e+04, v13;
	v13 =	vld.idx.msk [tilespmem:v10+s2+$0x0], $0xffff  }
0xa5: {  	v17 =	vadd.s32 s31, v3;
	v15 =	vadd.s32 s0, v1;
	s21 =	simm.s32 $0x6;
	s28 =	simm.s32 $0x7;
	s31 =	simm.s32 $0x8;
	v16 =	vadd.f32 v12, v7  }
0xa6: {  	v19 =	vadd.s32 s21, v1;
	v23 =	vadd.s32 s28, v1;
	v24 =	vadd.s32 s31, v1;
	v18 =	vld.idx.msk [tilespmem:v9+s2+$0x0], $0xffff  }
0xa7: {  	v9 =	vadd.s32 s21, v3;
	v21 =	vmul.f32 v16, v8;
	v16 =	vadd.f32 v11, v16  }
0xa8: {  	v22 =	vld.idx.msk [tilespmem:v14+s2+$0x0], $0xffff;
	v12 =	vadd.s32 s29, v3;
	v10 =	vadd.s32 s30, v3;
	v7 =	vadd.s32 s0, v3  }
0xa9: {  	s29 =	simm.s32 $0xA;
	v14 =	vtrunc.f32 v21;
	v21 =	vmul.f32 v16, v8;
	v16 =	vadd.f32 v13, v16  }
0xaa: {  	v15 =	vld.idx.msk [tilespmem:v15+s2+$0x0], $0xffff;
	v60 =	vadd.s32 s29, v1;
	v11 =	vadd.s32 s28, v3;
	v14 =	vcvt.f32.s32 v14  }
0xab: {  	s28 =	simm.s32 $0x9;
	v21 =	vtrunc.f32 v21;
	v25 =	vmul.f32 v16, v8;
	v16 =	vadd.f32 v18, v16  }
0xac: {  	v13 =	vadd.s32 s31, v3;
	v18 =	vld.idx.msk [tilespmem:v19+s2+$0x0], $0xffff;
	v19 =	vcvt.f32.s32 v21;
	v21 =	vadd.s32 s28, v1  }
0xad: {  	v25 =	vtrunc.f32 v25;
	v26 =	vmul.f32 v16, v8;
	v16 =	vadd.f32 v22, v16  }
0xae: {  	vm1 =	vlt.s32 v14, $0x3FFF;
	v22 =	vld.idx.msk [tilespmem:v23+s2+$0x0], $0xffff;
	vm2 =	vlt.s32 v19, $0x3FFF;
	v23 =	vcvt.f32.s32 v25  }
0xaf: {  	v26 =	vtrunc.f32 v26;
	v27 =	vmul.f32 v16, v8;
	v15 =	vadd.f32 v15, v16  }
0xb0: {  	v24 =	vld.idx.msk [tilespmem:v24+s2+$0x0], $0xffff;
	v28 =	vnsel vm2, $0x3FFF, v19;
	vm2 =	vlt.s32 v23, $0x3FFF;
	v16 =	vcvt.f32.s32 v26  }
0xb1: {  	v19 =	vtrunc.f32 v27;
	v61 =	vmul.f32 v15, v8;
	v15 =	vadd.f32 v18, v15  }
0xb2: {  	v62 =	vld.idx.msk [tilespmem:v21+s2+$0x0], $0xffff;
	v21 =	vnsel vm2, $0x3FFF, v23;
	vm2 =	vlt.s32 v16, $0x3FFF;
	v18 =	vcvt.f32.s32 v19  }
0xb3: {  	v19 =	vtrunc.f32 v61;
	v23 =	vmul.f32 v15, v8;
	v22 =	vadd.f32 v22, v15  }
0xb4: {  	v16 =	vnsel vm2, $0x3FFF, v16;
	vm2 =	vlt.s32 v18, $0x3FFF;
	v15 =	vcvt.f32.s32 v19;
	v19 =	vld.idx.msk [tilespmem:v60+s2+$0x0], $0xffff  }
0xb5: {  	v23 =	vtrunc.f32 v23;
	v63 =	vmul.f32 v22, v8;
	v24 =	vadd.f32 v24, v22  }
0xb6: {  	[tilespmem:v28+s20+$0x0] =	vst.idx.msk $0xffff, v17;
	v18 =	vnsel vm2, $0x3FFF, v18;
	vm2 =	vlt.s32 v15, $0x3FFF;
	v17 =	vcvt.f32.s32 v23  }
0xb7: {  	s30 =	simm.s32 $0xB;
	[tilespmem:v21+s20+$0x0] =	vst.idx.msk $0xffff, v20;
	v22 =	vtrunc.f32 v63;
	v21 =	vmul.f32 v24, v8;
	v20 =	vadd.f32 v62, v24  }
.LBB2_6:
0xb8: {  	v23 =	vadd.s32 s30, v1;
	p3 =	slt.u32 s30, $0x60F;
	vm3 =	vlt.s32 v17, $0x3FFF;
	v22 =	vcvt.f32.s32 v22  }
0xb9: {  	s1 =	sadd.s32 $0x1, s30;
	[tilespmem:v16+s20+$0x0] =	vst.idx.msk $0xffff, v12;
	v12 =	vtrunc.f32 v21;
	v16 =	vmul.f32 v20, v8;
	v19 =	vadd.f32 v19, v20  }
0xba: {  	v20 =	vadd.s32 s1, v1;
	vm4 =	vlt.s32 v22, $0x3FFF;
	v12 =	vcvt.f32.s32 v12  }
0xbb: {  	s31 =	sadd.s32 $0x2, s30;
	[tilespmem:v18+s20+$0x0] =	vst.idx.msk $0xffff, v10;
	v10 =	vnsel vm4, $0x3FFF, v22;
	v16 =	vtrunc.f32 v16;
	v18 =	vmul.f32 v19, v8  }
0xbc: {  	v21 =	vadd.s32 s31, v1;
	vm4 =	vlt.s32 v12, $0x3FFF;
	v16 =	vcvt.f32.s32 v16  }
0xbd: {  	s0 =	sadd.s32 $0x3, s30;
	v17 =	vnsel vm3, $0x3FFF, v17;
	v22 =	vld.idx.msk [tilespmem:v23+s2+$0x0], $0xffff;
	v23 =	vnsel vm4, $0x3FFF, v12;
	v12 =	vtrunc.f32 v18  }
0xbe: {  	v18 =	vadd.s32 s0, v1;
	vm3 =	vlt.s32 v16, $0x3FFF;
	v24 =	vcvt.f32.s32 v12  }
0xbf: {  	s21 =	sadd.s32 $0x4, s30;
	v25 =	vnsel vm1, $0x3FFF, v14;
	v14 =	vnsel vm2, $0x3FFF, v15;
	v20 =	vld.idx.msk [tilespmem:v20+s2+$0x0], $0xffff;
	v15 =	vnsel vm3, $0x3FFF, v16  }
0xc0: {  	v26 =	vadd.s32 s1, v3;
	v16 =	vadd.s32 s21, v1;
	[tilespmem:v10+s20+$0x0] =	vst.idx.msk $0xffff, v11;
	vm1 =	vlt.s32 v24, $0x3FFF  }
0xc1: {  	v27 =	vadd.s32 s31, v3;
	v12 =	vadd.s32 s0, v3;
	s0 =	sadd.s32 $0x5, s30;
	v21 =	vld.idx.msk [tilespmem:v21+s2+$0x0], $0xffff;
	v24 =	vnsel vm1, $0x3FFF, v24  }
0xc2: {  	v28 =	vadd.s32 s0, v1;
	v29 =	vadd.s32 s0, v3;
	v10 =	vadd.s32 s21, v3;
	[tilespmem:v23+s20+$0x0] =	vst.idx.msk $0xffff, v13  }
0xc3: {  	s0 =	sadd.s32 $0x6, s30;
	v11 =	vadd.f32 v22, v19;
	v13 =	vadd.s32 s28, v3;
	v18 =	vld.idx.msk [tilespmem:v18+s2+$0x0], $0xffff;
	[tilespmem:v17+s20+$0x0] =	vst.idx.msk $0xffff, v9;
	v17 =	vadd.s32 s29, v3  }
0xc4: {  	v19 =	vadd.s32 s0, v1;
	v9 =	vadd.s32 s0, v3;
	[tilespmem:v15+s20+$0x0] =	vst.idx.msk $0xffff, v13  }
0xc5: {  	s0 =	sadd.s32 $0x7, s30;
	v13 =	vmul.f32 v11, v8;
	v15 =	vadd.f32 v20, v11;
	v16 =	vld.idx.msk [tilespmem:v16+s2+$0x0], $0xffff;
	[tilespmem:v14+s20+$0x0] =	vst.idx.msk $0xffff, v7  }
0xc6: {  	v22 =	vadd.s32 s26, v3;
	s26 =	smov.u32 s30;
	v20 =	vadd.s32 s0, v1;
	v11 =	vadd.s32 s0, v3;
	v7 =	vmovc v29;
	[tilespmem:v24+s20+$0x0] =	vst.idx.msk $0xffff, v17  }
0xc7: {  	s0 =	sadd.s32 $0x8, s30;
	v13 =	vtrunc.f32 v13;
	v17 =	vmul.f32 v15, v8;
	v15 =	vadd.f32 v21, v15;
	v21 =	vld.idx.msk [tilespmem:v28+s2+$0x0], $0xffff  }
0xc8: {  	v23 =	vadd.s32 s0, v1;
	v14 =	vcvt.f32.s32 v13;
	v13 =	vadd.s32 s0, v3;
	[tilespmem:v25+s20+$0x0] =	vst.idx.msk $0xffff, v22  }
0xc9: {  	s28 =	sadd.s32 $0x9, s30;
	v17 =	vtrunc.f32 v17;
	v22 =	vmul.f32 v15, v8;
	v15 =	vadd.f32 v18, v15;
	v18 =	vld.idx.msk [tilespmem:v19+s2+$0x0], $0xffff  }
0xca: {  	vm1 =	vlt.s32 v14, $0x3FFF;
	v17 =	vcvt.f32.s32 v17;
	v19 =	vadd.s32 s28, v1  }
0xcb: {  	s29 =	sadd.s32 $0xA, s30;
	v22 =	vtrunc.f32 v22;
	v24 =	vmul.f32 v15, v8;
	v15 =	vadd.f32 v16, v15;
	v16 =	vld.idx.msk [tilespmem:v20+s2+$0x0], $0xffff  }
0xcc: {  	vm2 =	vlt.s32 v17, $0x3FFF;
	v20 =	vcvt.f32.s32 v22;
	v22 =	vadd.s32 s29, v1  }
0xcd: {  	v24 =	vtrunc.f32 v24;
	v25 =	vmul.f32 v15, v8;
	v15 =	vadd.f32 v21, v15;
	v21 =	vld.idx.msk [tilespmem:v23+s2+$0x0], $0xffff  }
0xce: {  	v17 =	vnsel vm2, $0x3FFF, v17;
	vm2 =	vlt.s32 v20, $0x3FFF;
	v23 =	vcvt.f32.s32 v24  }
0xcf: {  	v24 =	vtrunc.f32 v25;
	v25 =	vmul.f32 v15, v8;
	v15 =	vadd.f32 v18, v15;
	v28 =	vld.idx.msk [tilespmem:v19+s2+$0x0], $0xffff  }
0xd0: {  	v20 =	vnsel vm2, $0x3FFF, v20;
	vm2 =	vlt.s32 v23, $0x3FFF;
	v18 =	vcvt.f32.s32 v24  }
.Ltmp2:
0xd1: {  	v24 =	vtrunc.f32 v25;
	v25 =	vmul.f32 v15, v8;
	v29 =	vadd.f32 v16, v15;
	v19 =	vld.idx.msk [tilespmem:v22+s2+$0x0], $0xffff;
	(pc) =	sbr.rel @p3 .LBB2_6-.Ltmp2, $4  }
0xd2: {  	v16 =	vnsel vm2, $0x3FFF, v23;
	vm2 =	vlt.s32 v18, $0x3FFF;
	v15 =	vcvt.f32.s32 v24  }
0xd3: {  	v22 =	vmul.f32 v29, v8;
	v23 =	vadd.f32 v21, v29;
	[tilespmem:v17+s20+$0x0] =	vst.idx.msk $0xffff, v26;
	v17 =	vtrunc.f32 v25  }
0xd4: {  	v18 =	vnsel vm2, $0x3FFF, v18;
	vm2 =	vlt.s32 v15, $0x3FFF;
	v17 =	vcvt.f32.s32 v17  }
0xd5: {  	s30 =	sadd.s32 $0xB, s30;
	v22 =	vtrunc.f32 v22;
	v21 =	vmul.f32 v23, v8;
	[tilespmem:v20+s20+$0x0] =	vst.idx.msk $0xffff, v27;
	v20 =	vadd.f32 v28, v23  }
0xd6: {  	_ =	sdelay $0x2  }
0xd7: {  	v22 =	vcvt.f32.s32 v22;
	v19 =	vadd.f32 v19, v20  }
0xd8: {  	[tilespmem:v18+s20+$0x0] =	vst.idx.msk $0xffff, v10;
	v10 =	vnsel vm2, $0x3FFF, v15;
	v21 =	vtrunc.f32 v21;
	v23 =	vmul.f32 v20, v8  }
0xd9: {  	v14 =	vnsel vm1, $0x3FFF, v14;
	v61 =	vcvt.f32.s32 v21;
	v6 =	vadd.f32 v19, v6  }
0xda: {  	vm3 =	vlt.s32 v22, $0x3FFF;
	v62 =	vtrunc.f32 v23;
	v19 =	vmul.f32 v19, v8  }
0xdb: {  	v22 =	vnsel vm3, $0x3FFF, v22;
	vm3 =	vlt.s32 v17, $0x3FFF;
	v6 =	vmul.f32 v6, v8  }
0xdc: {  	vm4 =	vlt.s32 v61, $0x3FFF;
	v21 =	vcvt.f32.s32 v62;
	v19 =	vtrunc.f32 v19  }
0xdd: {  	v20 =	vnsel vm4, $0x3FFF, v61;
	v63 =	vcvt.f32.s32 v19;
	v6 =	vtrunc.f32 v6  }
0xde: {  	[tilespmem:v16+s20+$0x0] =	vst.idx.msk $0xffff, v12;
	v8 =	vnsel vm3, $0x3FFF, v17;
	vm3 =	vlt.s32 v21, $0x3FFF;
	v6 =	vcvt.f32.s32 v6  }
0xdf: {  	[tilespmem:v10+s20+$0x0] =	vst.idx.msk $0xffff, v7;
	v12 =	vnsel vm3, $0x3FFF, v21;
	vm2 =	vlt.s32 v63, $0x3FFF  }
0xe0: {  	v7 =	vadd.s32 s26, v3;
	[tilespmem:v22+s20+$0x0] =	vst.idx.msk $0xffff, v11;
	v11 =	vnsel vm2, $0x3FFF, v63;
	vm1 =	vlt.s32 v6, $0x3FFF  }
0xe1: {  	[tilespmem:v14+s20+$0x0] =	vst.idx.msk $0xffff, v7;
	v6 =	vnsel vm1, $0x3FFF, v6  }
0xe2: {  	[tilespmem:v20+s20+$0x0] =	vst.idx.msk $0xffff, v13  }
0xe3: {  	[tilespmem:v8+s20+$0x0] =	vst.idx.msk $0xffff, v9;
	v8 =	vadd.s32 s28, v3  }
0xe4: {  	[tilespmem:v12+s20+$0x0] =	vst.idx.msk $0xffff, v8;
	v8 =	vadd.s32 s29, v3  }
0xe5: {  	[tilespmem:v11+s20+$0x0] =	vst.idx.msk $0xffff, v8  }
0xe6: {  	s26 =	simm.s32 $0x6220;
	[tilespmem:v6+s20+$0x0] =	vst.idx.msk $0xff, v4  }
0xe7: {  	v6 =	vld [tilespmem:s26+$0xFFFFFFE0];
	_ =	sdelay $0x2  }
0xe8: {  	v7 =	vld [tilespmem:s26+$0xFFFFFFF0];
	_ =	sdelay $0x1  }
0xe9: {  	v8 =	vld [tilespmem:s26+$0x0];
	v6 =	vxor.u32 $0x80000000, v6  }
0xea: {  	(xrf0) =	vmax.scan.msk.u32 $0xffff, v6  }
0xeb: {  	v9 =	vld [tilespmem:s26+$0x10]  }
0xec: {  	v6 =	vxor.u32 $0x80000000, v7  }
0xed: {  	s29 =	simm.s32 $0x6260;
	(xrf0) =	vmax.scan.msk.u32 $0xffff, v6  }
0xee: {  	v7 =	vld [tilespmem:s29+$0xFFFFFFE0];
	v6 =	vxor.u32 $0x80000000, v8  }
0xef: {  	v8 =	vld [tilespmem:s29+$0xFFFFFFF0];
	(xrf0) =	vmax.scan.msk.u32 $0xffff, v6  }
0xf0: {  	v6 =	vxor.u32 $0x80000000, v9;
	v9, _, _ =	vpop (xrf0)  }
0xf1: {  	v10 =	vimm.s32 $0x0;
	(xrf0) =	vmax.scan.msk.u32 $0xffff, v6;
	v9 =	vxor.u32 $0x80000000, v9  }
0xf2: {  	v12 =	vbroadcast v9, $0xF;
	vm1 =	vgt.s32 v9, v10  }
0xf3: {  	v7 =	vxor.u32 $0x80000000, v7;
	v6, _, _ =	vpop (xrf0);
	v13 =	vsel vm1, v9, v10;
	v9 =	vld [tilespmem:s29+$0x0]  }
0xf4: {  	v6 =	vxor.u32 $0x80000000, v6;
	vm1 =	vgt.s32 v10, v12;
	[tilespmem:s26+$0xFFFFFFE0] =	vst v13;
	v13 =	vxor.u32 $0x80000000, v8  }
0xf5: {  	(xrf0) =	vmax.scan.msk.u32 $0xffff, v7;
	v14, _, _ =	vpop (xrf0);
	v11 =	vbroadcast v6, $0xF;
	v7 =	vsel vm1, v10, v12;
	v10 =	vld [tilespmem:s29+$0x10]  }
0xf6: {  	v8 =	vxor.u32 $0x80000000, v14  }
0xf7: {  	s30 =	simm.s32 $0x4;
	s28 =	simm.s32 $0x6260;
	(xrf0) =	vmax.scan.msk.u32 $0xffff, v13;
	v12 =	vbroadcast v8, $0xF;
	vm1 =	vgt.s32 v6, v7;
	vm2 =	vgt.s32 v7, v11;
	v13, _, _ =	vpop (xrf0)  }
.LBB2_8:
0xf8: {  	s30 =	sadd.s32 $0x4, s30;
	v9 =	vxor.u32 $0x80000000, v9;
	s29 =	sadd.s32 $0x40, s29;
	v11 =	vsel vm2, v7, v11;
	v13 =	vxor.u32 $0x80000000, v13  }
0xf9: {  	v14 =	vld [tilespmem:s29+$0xFFFFFFE0];
	p3 =	slt.u32 s30, $0x3FC;
	(xrf0) =	vmax.scan.msk.u32 $0xffff, v9;
	vm2 =	vgt.s32 v8, v11;
	vm3 =	vgt.s32 v11, v12;
	v9 =	vbroadcast v13, $0xF  }
0xfa: {  	v10 =	vxor.u32 $0x80000000, v10;
	v8 =	vsel vm2, v8, v11;
	v11 =	vsel vm3, v11, v12  }
0xfb: {  	v7 =	vsel vm1, v6, v7;
	v12 =	vld [tilespmem:s29+$0xFFFFFFF0];
	v15, _, _ =	vpop (xrf0);
	(xrf0) =	vmax.scan.msk.u32 $0xffff, v10;
	vm1 =	vgt.s32 v13, v11;
	vm2 =	vgt.s32 v11, v9  }
0xfc: {  	v6 =	vxor.u32 $0x80000000, v15;
	[tilespmem:s26+$0x0] =	vst v8;
	v8 =	vsel vm1, v13, v11;
	v13 =	vsel vm2, v11, v9  }
.Ltmp3:
0xfd: {  	v9 =	vld [tilespmem:s29+$0x0];
	vm1 =	vgt.s32 v6, v13;
	v15 =	vbroadcast v6, $0xF;
	v10, _, _ =	vpop (xrf0);
	[tilespmem:s26+$0x10] =	vst v8;
	(pc) =	sbr.rel @p3 .LBB2_8-.Ltmp3, $4  }
0xfe: {  	v14 =	vxor.u32 $0x80000000, v14;
	v11 =	vsel vm1, v6, v13;
	v6 =	vxor.u32 $0x80000000, v10;
	[tilespmem:s26+$0xFFFFFFF0] =	vst v7;
	s26 =	smov.u32 s28;
	s28 =	smov.u32 s29  }
0xff: {  	v10 =	vld [tilespmem:s29+$0x10];
	(xrf0) =	vmax.scan.msk.u32 $0xffff, v14;
	[tilespmem:s26+$0xFFFFFFE0] =	vst v11;
	vm1 =	vgt.s32 v13, v15;
	v11 =	vbroadcast v6, $0xF;
	v8, _, _ =	vpop (xrf0)  }
0x100: {  	v12 =	vxor.u32 $0x80000000, v12;
	v7 =	vsel vm1, v13, v15;
	v8 =	vxor.u32 $0x80000000, v8  }
0x101: {  	(xrf0) =	vmax.scan.msk.u32 $0xffff, v12;
	vm1 =	vgt.s32 v6, v7;
	vm2 =	vgt.s32 v7, v11;
	v12 =	vbroadcast v8, $0xF;
	v13, _, _ =	vpop (xrf0)  }
0x102: {  	v9 =	vxor.u32 $0x80000000, v9  }
0x103: {  	(xrf0) =	vmax.scan.msk.u32 $0xffff, v9;
	v9 =	vsel vm2, v7, v11;
	v11 =	vxor.u32 $0x80000000, v13  }
0x104: {  	vm2 =	vgt.s32 v9, v12;
	v13 =	vbroadcast v11, $0xF  }
0x105: {  	v10 =	vxor.u32 $0x80000000, v10;
	v14, _, _ =	vpop (xrf0);
	v12 =	vsel vm2, v9, v12  }
0x106: {  	(xrf0) =	vmax.scan.msk.u32 $0xffff, v10;
	v14 =	vxor.u32 $0x80000000, v14;
	vm2 =	vgt.s32 v12, v13  }
0x107: {  	v10 =	vbroadcast v14, $0xF;
	v15, _, _ =	vpop (xrf0);
	v13 =	vsel vm2, v12, v13;
	vm2 =	vgt.s32 v8, v9  }
0x108: {  	v15 =	vxor.u32 $0x80000000, v15;
	v8 =	vsel vm2, v8, v9;
	vm2 =	vgt.s32 v11, v12  }
0x109: {  	vm3 =	vgt.s32 v13, v10;
	v16 =	vbroadcast v15, $0xF;
	v17, _, _ =	vpop (xrf0);
	v11 =	vsel vm2, v11, v12  }
0x10a: {  	v9 =	vsel vm3, v13, v10;
	v10 =	vxor.u32 $0x80000000, v17  }
0x10b: {  	[tilespmem:s26+$0x0] =	vst v8;
	vm2 =	vgt.s32 v14, v13;
	vm3 =	vgt.s32 v9, v16;
	v17 =	vbroadcast v10, $0xF  }
0x10c: {  	v6 =	vsel vm1, v6, v7;
	[tilespmem:s26+$0x10] =	vst v11;
	v7 =	vsel vm2, v14, v13;
	v8 =	vsel vm3, v9, v16;
	v11, _, _ =	vpop (xrf0)  }
0x10d: {  	[tilespmem:s26+$0xFFFFFFF0] =	vst v6;
	vm1 =	vgt.s32 v8, v17;
	v6 =	vxor.u32 $0x80000000, v11;
	vm2 =	vgt.s32 v10, v8  }
0x10e: {  	[tilespmem:s28+$0xFFFFFFE0] =	vst v7;
	v11 =	vsel vm1, v8, v17;
	v7 =	vsel vm2, v10, v8;
	vm2 =	vgt.s32 v15, v9  }
0x10f: {  	vm1 =	vgt.s32 v6, v11;
	[tilespmem:s28+$0x0] =	vst v7;
	v7 =	vsel vm2, v15, v9  }
0x110: {  	v6 =	vsel vm1, v6, v11;
	[tilespmem:s28+$0xFFFFFFF0] =	vst v7  }
0x111: {  	[tilespmem:s28+$0x10] =	vst v6  }
0x112: {  	[spmem:s9] =	stream.strided.scatter [tilespmem:s20], [sflag:$0x1], $0x4000, s17, s16, $0x38;
	[tilespmem:$0x1E320] =	vst v63  }
0x113: {  	_ =	swait.ge [sflag:s18], $0x4000  }
0x114: {  	[sflag:s18] =	ssyncset.done $0x0  }
0x115: {  	[sflag:s18] =	ssyncadd.s32 $0xFFFFC000  }
0x116: {  	s0 =	simm.s32 $0xA200;
	[bflag:$0x0] =	sbarrier.arrive $0xFFFF  }
0x117: {  	[tilespmem:s0], [sflag:$0x1] =	stream.strided.gather [spmem:s10], $0x4000, s17, s16, $0x38;
	[tilespmem:$0x1E320] =	vst v63  }
0x118: {  	_ =	swait.ge [sflag:s18], $0x4000  }
0x119: {  	[sflag:s18] =	ssyncset.done $0x0  }
0x11a: {  	[sflag:s18] =	ssyncadd.s32 $0xFFFFC000  }
0x11b: {  	[tilespmem:s22], [sflag:$0x1] =	stream.strided.gather [spmem:s11], $0x4000, s17, s16, $0x38;
	[tilespmem:$0x1E320] =	vst v63  }
0x11c: {  	_ =	swait.ge [sflag:s18], $0x4000  }
0x11d: {  	[sflag:s18] =	ssyncset.done $0x0  }
0x11e: {  	[sflag:s18] =	ssyncadd.s32 $0xFFFFC000  }
0x11f: {  	[tilespmem:s23], [sflag:$0x1] =	stream.strided.gather [spmem:s12], $0x4000, s17, s16, $0x38;
	[tilespmem:$0x1E320] =	vst v63  }
0x120: {  	_ =	swait.ge [sflag:s18], $0x4000  }
0x121: {  	[sflag:s18] =	ssyncset.done $0x0  }
0x122: {  	s26 =	simm.s32 $0x6220;
	[sflag:s18] =	ssyncadd.s32 $0xFFFFC000  }
0x123: {  	s28 =	simm.s32 $0xA220;
	v6 =	vld [tilespmem:s26+$0x10]  }
0x124: {  	s29 =	simm.s32 $0xE220;
	v7 =	vld [tilespmem:s28+$0x10]  }
0x125: {  	s30 =	simm.s32 $0x12220;
	v8 =	vld [tilespmem:s29+$0x10]  }
0x126: {  	v9 =	vld [tilespmem:s30+$0x10]  }
0x127: {  	v12 =	vld [tilespmem:s28+$0xFFFFFFE0]  }
0x128: {  	v13 =	vld [tilespmem:s26+$0xFFFFFFF0]  }
0x129: {  	v14 =	vld [tilespmem:s28+$0xFFFFFFF0]  }
0x12a: {  	v15 =	vld [tilespmem:s26+$0x0]  }
0x12b: {  	v62 =	vld [tilespmem:s28+$0x0]  }
0x12c: {  	v63 =	vld [tilespmem:s26+$0xFFFFFFE0]  }
0x12d: {  	v6 =	vadd.s32 v6, v7;
	v7 =	vld [tilespmem:s29+$0xFFFFFFE0]  }
0x12e: {  	v10 =	vld [tilespmem:s29+$0xFFFFFFF0];
	v6 =	vadd.s32 v8, v6  }
0x12f: {  	v11 =	vld [tilespmem:s29+$0x0];
	v6 =	vadd.s32 v9, v6  }
0x130: {  	v9 =	vld [tilespmem:s30+$0xFFFFFFE0];
	vm1 =	vlt.s32 v6, $0x1869F  }
0x131: {  	v17 =	vadd.s32 v63, v12;
	v8 =	vld [tilespmem:s30+$0xFFFFFFF0];
	v6 =	vnsel vm1, $0x1869F, v6  }
0x132: {  	s31 =	simm.s32 $0x0;
	s1 =	simm.s32 $0x6260;
	v12 =	vadd.s32 v13, v14;
	v13 =	vadd.s32 v15, v62;
	[tilespmem:s26+$0x10] =	vst v6;
	v14 =	vadd.s32 v7, v17;
	v7 =	vld [tilespmem:s30+$0x0]  }
.LBB2_10:
0x133: {  	v6 =	vld [tilespmem:s1+$0x10];
	v10 =	vadd.s32 v10, v12;
	s28 =	sadd.s32 $0x40, s28  }
0x134: {  	s31 =	sadd.s32 $0x4, s31;
	s29 =	sadd.s32 $0x40, s29;
	v12 =	vld [tilespmem:s28+$0x10];
	v11 =	vadd.s32 v11, v13  }
0x135: {  	s30 =	sadd.s32 $0x40, s30;
	p3 =	slt.u32 s31, $0x3FC;
	v13 =	vld [tilespmem:s29+$0x10];
	v9 =	vadd.s32 v9, v14  }
0x136: {  	v14 =	vld [tilespmem:s30+$0x10];
	vm1 =	vlt.s32 v9, $0x1869F;
	v8 =	vadd.s32 v8, v10  }
0x137: {  	v15 =	vld [tilespmem:s28+$0xFFFFFFE0];
	v9 =	vnsel vm1, $0x1869F, v9;
	vm1 =	vlt.s32 v8, $0x1869F;
	v7 =	vadd.s32 v7, v11  }
0x138: {  	v11 =	vld [tilespmem:s1+$0xFFFFFFF0];
	[tilespmem:s26+$0xFFFFFFE0] =	vst v9;
	v8 =	vnsel vm1, $0x1869F, v8;
	vm1 =	vlt.s32 v7, $0x1869F  }
0x139: {  	v9 =	vld [tilespmem:s28+$0xFFFFFFF0];
	v6 =	vadd.s32 v6, v12;
	[tilespmem:s26+$0xFFFFFFF0] =	vst v8;
	v7 =	vnsel vm1, $0x1869F, v7  }
0x13a: {  	v8 =	vld [tilespmem:s1+$0x0];
	v6 =	vadd.s32 v13, v6;
	[tilespmem:s26+$0x0] =	vst v7;
	s26 =	smov.u32 s1  }
0x13b: {  	v7 =	vld [tilespmem:s28+$0x0];
	v6 =	vadd.s32 v14, v6  }
0x13c: {  	v14 =	vld [tilespmem:s1+$0xFFFFFFE0];
	vm1 =	vlt.s32 v6, $0x1869F  }
0x13d: {  	v16 =	vld [tilespmem:s29+$0xFFFFFFE0];
	v6 =	vnsel vm1, $0x1869F, v6  }
.Ltmp4:
0x13e: {  	v10 =	vld [tilespmem:s29+$0xFFFFFFF0];
	v12 =	vadd.s32 v11, v9;
	[tilespmem:s1+$0x10] =	vst v6;
	v6 =	vimm.s32 $0x0;
	(pc) =	sbr.rel @p3 .LBB2_10-.Ltmp4, $4  }
0x13f: {  	v11 =	vld [tilespmem:s29+$0x0]  }
0x140: {  	v9 =	vld [tilespmem:s30+$0xFFFFFFE0];
	v13 =	vadd.s32 v8, v7  }
0x141: {  	v7 =	vadd.s32 v14, v15;
	v8 =	vld [tilespmem:s30+$0xFFFFFFF0]  }
0x142: {  	s1 =	sadd.s32 $0x40, s1;
	v14 =	vadd.s32 v16, v7;
	v7 =	vld [tilespmem:s30+$0x0]  }
0x143: {  	s0 =	sadd.s32 $0xFFFFFFD0, s15  }
0x144: {  	v10 =	vadd.s32 v10, v12;
	s31 =	sadd.s32 $0xFFFFFFF0, s15;
	s1 =	sadd.s32 $0xFFFFFFE0, s15;
	v11 =	vadd.s32 v11, v13;
	v12 =	vadd.s32 s0, v5  }
0x145: {  	v13 =	vadd.s32 s31, v5;
	v9 =	vadd.s32 v9, v14;
	v14 =	vadd.s32 s1, v5  }
0x146: {  	vm1 =	vlt.s32 v9, $0x1869F;
	v8 =	vadd.s32 v8, v10;
	v10 =	vshrl.u32 v12, $0x10  }
0x147: {  	v9 =	vnsel vm1, $0x1869F, v9;
	vm1 =	vlt.s32 v8, $0x1869F;
	v10 =	vxor.u32 v12, v10  }
0x148: {  	v7 =	vadd.s32 v7, v11;
	v11 =	vadd.s32 s15, v5;
	v10 =	vmul.u32 $0xE9C9F6AD, v10  }
0x149: {  	v8 =	vnsel vm1, $0x1869F, v8;
	vm1 =	vlt.s32 v7, $0x1869F;
	v12 =	vshrl.u32 v11, $0x10  }
0x14a: {  	v11 =	vxor.u32 v11, v12;
	v12 =	vshrl.u32 v14, $0x10;
	v15 =	vshrl.u32 v10, $0xF  }
0x14b: {  	v12 =	vxor.u32 v14, v12;
	v11 =	vmul.u32 $0xE9C9F6AD, v11;
	v10 =	vxor.u32 v10, v15  }
0x14c: {  	v15 =	vshrl.u32 v13, $0x10;
	v12 =	vmul.u32 $0xE9C9F6AD, v12;
	v10 =	vmul.u32 $0x73640197, v10  }
0x14d: {  	v7 =	vnsel vm1, $0x1869F, v7;
	v13 =	vxor.u32 v13, v15;
	v15 =	vshrl.u32 v11, $0xF  }
0x14e: {  	v13 =	vmul.u32 $0xE9C9F6AD, v13;
	v16 =	vshrl.u32 v12, $0xF;
	v14 =	vshrl.u32 v10, $0xF  }
0x14f: {  	v11 =	vxor.u32 v11, v15;
	v12 =	vxor.u32 v12, v16;
	v14 =	vxor.u32 v10, v14  }
0x150: {  	v10 =	vshrl.u32 v10, $0x12;
	v17 =	vmul.u32 $0xE9C9F6AD, v14;
	v18 =	vshrl.u32 v14, $0x2  }
0x151: {  	[tilespmem:s26+$0xFFFFFFE0] =	vst v9;
	v12 =	vmul.u32 $0x73640197, v12;
	v9 =	vmul.u32 $0x73640197, v14;
	v18 =	vand.u32 $0x3FFF, v18  }
0x152: {  	[tilespmem:s26+$0x0] =	vst v7;
	v7 =	vmul.u32 $0xC2AB2D0B, v14;
	v15 =	vshrl.u32 v17, $0x12;
	v16 =	vshrl.u32 v17, $0x2  }
0x153: {  	[tilespmem:s26+$0xFFFFFFF0] =	vst v8;
	v14 =	vshrl.u32 v9, $0x12;
	v8 =	vand.u32 $0x3FFF, v16;
	v16 =	vshrl.u32 v13, $0xF  }
0x154: {  	v9 =	vshrl.u32 v9, $0x2;
	v17 =	vshrl.u32 v7, $0x12;
	v13 =	vxor.u32 v13, v16  }
0x155: {  	v7 =	vshrl.u32 v7, $0x2;
	v9 =	vand.u32 $0x3FFF, v9;
	v10 =	vld.idx.msk [tilespmem:v10+s20+$0x0], $0xffff;
	v13 =	vmul.u32 $0x73640197, v13  }
0x156: {  	v7 =	vand.u32 $0x3FFF, v7;
	v16 =	vld.idx.msk [tilespmem:v18+s20+$0x0], $0xffff;
	v18 =	vshrl.u32 v12, $0xF  }
0x157: {  	v15 =	vld.idx.msk [tilespmem:v15+s20+$0x0], $0xffff;
	v18 =	vxor.u32 v12, v18;
	v12 =	vshrl.u32 v12, $0x12;
	v21 =	vshrl.u32 v13, $0x12  }
0x158: {  	v62 =	vshrl.u32 v13, $0xF;
	v8 =	vld.idx.msk [tilespmem:v8+s20+$0x0], $0xffff;
	v19 =	vmul.u32 $0xE9C9F6AD, v18;
	v20 =	vshrl.u32 v18, $0x2  }
0x159: {  	v14 =	vld.idx.msk [tilespmem:v14+s20+$0x0], $0xffff;
	v23 =	vmul.u32 $0x73640197, v18;
	v18 =	vmul.u32 $0xC2AB2D0B, v18;
	v20 =	vand.u32 $0x3FFF, v20  }
0x15a: {  	v9 =	vld.idx.msk [tilespmem:v9+s20+$0x0], $0xffff;
	v6 =	vadd.s32 v6, v10;
	v24 =	vshrl.u32 v19, $0x12;
	v19 =	vshrl.u32 v19, $0x2  }
0x15b: {  	v17 =	vld.idx.msk [tilespmem:v17+s20+$0x0], $0xffff;
	v13 =	vxor.u32 v13, v62;
	v19 =	vand.u32 $0x3FFF, v19;
	v6 =	vadd.s32 v16, v6  }
0x15c: {  	v7 =	vld.idx.msk [tilespmem:v7+s20+$0x0], $0xffff;
	v10 =	vshrl.u32 v23, $0x12;
	v23 =	vshrl.u32 v23, $0x2;
	v6 =	vadd.s32 v15, v6  }
0x15d: {  	v16 =	vand.u32 $0x3FFF, v23;
	v23 =	vshrl.u32 v13, $0x2;
	v12 =	vld.idx.msk [tilespmem:v12+s20+$0x0], $0xffff;
	v6 =	vadd.s32 v8, v6  }
0x15e: {  	v11 =	vmul.u32 $0x73640197, v11;
	v23 =	vand.u32 $0x3FFF, v23;
	v15 =	vld.idx.msk [tilespmem:v20+s20+$0x0], $0xffff;
	v6 =	vadd.s32 v14, v6  }
0x15f: {  	v20 =	vshrl.u32 v18, $0x12;
	v18 =	vshrl.u32 v18, $0x2;
	v8 =	vld.idx.msk [tilespmem:v24+s20+$0x0], $0xffff;
	v6 =	vadd.s32 v9, v6  }
0x160: {  	v18 =	vand.u32 $0x3FFF, v18;
	v14 =	vld.idx.msk [tilespmem:v19+s20+$0x0], $0xffff;
	v19 =	vmul.u32 $0xE9C9F6AD, v13;
	v6 =	vadd.s32 v17, v6  }
0x161: {  	v9 =	vld.idx.msk [tilespmem:v10+s20+$0x0], $0xffff;
	v10 =	vmul.u32 $0x73640197, v13;
	v6 =	vadd.s32 v7, v6;
	v7 =	vmul.u32 $0xC2AB2D0B, v13  }
0x162: {  	v16 =	vld.idx.msk [tilespmem:v16+s20+$0x0], $0xffff;
	v17 =	vshrl.u32 v19, $0x12;
	v19 =	vshrl.u32 v19, $0x2;
	v6 =	vadd.s32 v12, v6  }
0x163: {  	v63 =	vld.idx.msk [tilespmem:v23+s20+$0x0], $0xffff;
	v12 =	vshrl.u32 v10, $0x12;
	v10 =	vshrl.u32 v10, $0x2;
	v13 =	vand.u32 $0x3FFF, v19  }
0x164: {  	v22 =	vshrl.u32 v11, $0x12;
	v20 =	vld.idx.msk [tilespmem:v20+s20+$0x0], $0xffff;
	v6 =	vadd.s32 v15, v6;
	v10 =	vand.u32 $0x3FFF, v10  }
0x165: {  	v19 =	vshrl.u32 v11, $0xF;
	v18 =	vld.idx.msk [tilespmem:v18+s20+$0x0], $0xffff;
	v6 =	vadd.s32 v8, v6;
	v8 =	vshrl.u32 v7, $0x12  }
0x166: {  	v15 =	vld.idx.msk [tilespmem:v21+s20+$0x0], $0xffff;
	v7 =	vshrl.u32 v7, $0x2;
	v11 =	vxor.u32 v11, v19;
	v6 =	vadd.s32 v14, v6  }
0x167: {  	v14 =	vand.u32 $0x3FFF, v7;
	v6 =	vadd.s32 v9, v6;
	v9 =	vmul.u32 $0xE9C9F6AD, v11;
	v17 =	vld.idx.msk [tilespmem:v17+s20+$0x0], $0xffff  }
0x168: {  	v6 =	vadd.s32 v16, v6;
	v19 =	vld.idx.msk [tilespmem:v13+s20+$0x0], $0xffff;
	v13 =	vshrl.u32 v11, $0x2  }
0x169: {  	v7 =	vld.idx.msk [tilespmem:v12+s20+$0x0], $0xffff;
	v12 =	vshrl.u32 v9, $0x12;
	v16 =	vand.u32 $0x3FFF, v13;
	v13 =	vadd.s32 v20, v6  }
0x16a: {  	v9 =	vshrl.u32 v9, $0x2;
	v20 =	vmul.u32 $0x73640197, v11;
	v6 =	vld.idx.msk [tilespmem:v10+s20+$0x0], $0xffff;
	v10 =	vadd.s32 v18, v13  }
0x16b: {  	v8 =	vld.idx.msk [tilespmem:v8+s20+$0x0], $0xffff;
	v18 =	vmul.u32 $0xC2AB2D0B, v11;
	v13 =	vand.u32 $0x3FFF, v9;
	v10 =	vadd.s32 v15, v10  }
0x16c: {  	v9 =	vld.idx.msk [tilespmem:v14+s20+$0x0], $0xffff;
	v11 =	vshrl.u32 v20, $0x2;
	v14 =	vshrl.u32 v20, $0x12;
	v21 =	vadd.s32 v63, v10  }
0x16d: {  	v10 =	vld.idx.msk [tilespmem:v22+s20+$0x0], $0xffff;
	v15 =	vand.u32 $0x3FFF, v11;
	v20 =	vadd.s32 v17, v21  }
0x16e: {  	s28 =	sadd.s32 $0x40, s15;
	s26 =	simm.s32 $0x0;
	v17 =	vshrl.u32 v18, $0x2;
	v11 =	vld.idx.msk [tilespmem:v16+s20+$0x0], $0xffff;
	v16 =	vshrl.u32 v18, $0x12;
	v18 =	vadd.s32 v19, v20  }
.LBB2_12:
0x16f: {  	s0 =	sadd.s32 $0xFFFFFFD0, s28;
	v19 =	vadd.s32 s28, v5;
	s26 =	sadd.s32 $0x4, s26;
	v12 =	vld.idx.msk [tilespmem:v12+s20+$0x0], $0xffff;
	v17 =	vand.u32 $0x3FFF, v17;
	v7 =	vadd.s32 v7, v18  }
0x170: {  	v18 =	vadd.s32 s0, v5;
	s0 =	sadd.s32 $0xFFFFFFF0, s28;
	v20 =	vshrl.u32 v19, $0x10;
	p3 =	slt.u32 s26, $0x7FC;
	v13 =	vld.idx.msk [tilespmem:v13+s20+$0x0], $0xffff;
	v6 =	vadd.s32 v6, v7  }
0x171: {  	s1 =	sadd.s32 $0xFFFFFFE0, s28;
	v7 =	vshrl.u32 v18, $0x10;
	v21 =	vadd.s32 s0, v5;
	v14 =	vld.idx.msk [tilespmem:v14+s20+$0x0], $0xffff;
	v6 =	vadd.s32 v8, v6  }
0x172: {  	v8 =	vadd.s32 s1, v5;
	v7 =	vxor.u32 v18, v7;
	v15 =	vld.idx.msk [tilespmem:v15+s20+$0x0], $0xffff;
	v6 =	vadd.s32 v9, v6  }
0x173: {  	v9 =	vxor.u32 v19, v20;
	v7 =	vmul.u32 $0xE9C9F6AD, v7;
	v16 =	vld.idx.msk [tilespmem:v16+s20+$0x0], $0xffff;
	v6 =	vadd.s32 v10, v6  }
0x174: {  	v18 =	vshrl.u32 v21, $0x10;
	v10 =	vshrl.u32 v8, $0x10;
	v17 =	vld.idx.msk [tilespmem:v17+s20+$0x0], $0xffff;
	v6 =	vadd.s32 v11, v6  }
0x175: {  	v9 =	vmul.u32 $0xE9C9F6AD, v9;
	v11 =	vshrl.u32 v7, $0xF;
	v6 =	vadd.s32 v12, v6  }
0x176: {  	v7 =	vxor.u32 v7, v11;
	v11 =	vxor.u32 v21, v18;
	v6 =	vadd.s32 v13, v6  }
0x177: {  	v8 =	vxor.u32 v8, v10;
	v7 =	vmul.u32 $0x73640197, v7;
	v6 =	vadd.s32 v14, v6  }
0x178: {  	v8 =	vmul.u32 $0xE9C9F6AD, v8;
	v10 =	vmul.u32 $0xE9C9F6AD, v11;
	v6 =	vadd.s32 v15, v6  }
0x179: {  	v12 =	vshrl.u32 v9, $0xF;
	v11 =	vshrl.u32 v7, $0xF;
	v6 =	vadd.s32 v16, v6  }
0x17a: {  	v13 =	vshrl.u32 v8, $0xF;
	v11 =	vxor.u32 v7, v11;
	v6 =	vadd.s32 v17, v6  }
0x17b: {  	v7 =	vshrl.u32 v7, $0x12;
	v14 =	vmul.u32 $0xE9C9F6AD, v11;
	v15 =	vshrl.u32 v11, $0x2  }
0x17c: {  	v9 =	vxor.u32 v9, v12;
	v8 =	vxor.u32 v8, v13;
	v15 =	vand.u32 $0x3FFF, v15  }
0x17d: {  	v12 =	vmul.u32 $0x73640197, v11;
	v13 =	vshrl.u32 v14, $0x12;
	v14 =	vshrl.u32 v14, $0x2  }
0x17e: {  	v8 =	vmul.u32 $0x73640197, v8;
	v16 =	vshrl.u32 v10, $0xF;
	v14 =	vand.u32 $0x3FFF, v14  }
0x17f: {  	v11 =	vmul.u32 $0xC2AB2D0B, v11;
	v17 =	vshrl.u32 v12, $0x12;
	v12 =	vshrl.u32 v12, $0x2  }
0x180: {  	v9 =	vmul.u32 $0x73640197, v9;
	v10 =	vxor.u32 v10, v16;
	v12 =	vand.u32 $0x3FFF, v12;
	v7 =	vld.idx.msk [tilespmem:v7+s20+$0x0], $0xffff  }
0x181: {  	v18 =	vshrl.u32 v8, $0xF;
	v16 =	vshrl.u32 v11, $0x12;
	v11 =	vshrl.u32 v11, $0x2;
	v15 =	vld.idx.msk [tilespmem:v15+s20+$0x0], $0xffff  }
0x182: {  	v10 =	vmul.u32 $0x73640197, v10;
	v18 =	vxor.u32 v8, v18;
	v11 =	vand.u32 $0x3FFF, v11;
	v13 =	vld.idx.msk [tilespmem:v13+s20+$0x0], $0xffff  }
0x183: {  	v8 =	vshrl.u32 v8, $0x12;
	v19 =	vmul.u32 $0xE9C9F6AD, v18;
	v20 =	vshrl.u32 v18, $0x2;
	v14 =	vld.idx.msk [tilespmem:v14+s20+$0x0], $0xffff  }
0x184: {  	v22 =	vshrl.u32 v9, $0x12;
	v21 =	vshrl.u32 v10, $0x12;
	v20 =	vand.u32 $0x3FFF, v20;
	v17 =	vld.idx.msk [tilespmem:v17+s20+$0x0], $0xffff  }
0x185: {  	v23 =	vmul.u32 $0x73640197, v18;
	v24 =	vshrl.u32 v19, $0x12;
	v19 =	vshrl.u32 v19, $0x2;
	v12 =	vld.idx.msk [tilespmem:v12+s20+$0x0], $0xffff  }
0x186: {  	v18 =	vmul.u32 $0xC2AB2D0B, v18;
	v19 =	vand.u32 $0x3FFF, v19;
	v6 =	vadd.s32 v6, v7;
	v16 =	vld.idx.msk [tilespmem:v16+s20+$0x0], $0xffff  }
0x187: {  	v6 =	vadd.s32 v15, v6;
	v7 =	vld.idx.msk [tilespmem:v11+s20+$0x0], $0xffff;
	v11 =	vshrl.u32 v23, $0x12;
	v23 =	vshrl.u32 v23, $0x2  }
0x188: {  	v6 =	vadd.s32 v13, v6;
	v8 =	vld.idx.msk [tilespmem:v8+s20+$0x0], $0xffff;
	v15 =	vand.u32 $0x3FFF, v23;
	v23 =	vshrl.u32 v10, $0xF  }
0x189: {  	v6 =	vadd.s32 v14, v6;
	v13 =	vld.idx.msk [tilespmem:v20+s20+$0x0], $0xffff;
	v20 =	vshrl.u32 v18, $0x12;
	v18 =	vshrl.u32 v18, $0x2  }
0x18a: {  	v10 =	vxor.u32 v10, v23;
	v6 =	vadd.s32 v17, v6;
	v14 =	vld.idx.msk [tilespmem:v24+s20+$0x0], $0xffff;
	v18 =	vand.u32 $0x3FFF, v18  }
0x18b: {  	v23 =	vshrl.u32 v10, $0x2;
	v6 =	vadd.s32 v12, v6;
	v17 =	vld.idx.msk [tilespmem:v19+s20+$0x0], $0xffff;
	v19 =	vmul.u32 $0xE9C9F6AD, v10  }
0x18c: {  	v12 =	vmul.u32 $0x73640197, v10;
	v23 =	vand.u32 $0x3FFF, v23;
	v6 =	vadd.s32 v16, v6;
	v11 =	vld.idx.msk [tilespmem:v11+s20+$0x0], $0xffff  }
0x18d: {  	v6 =	vadd.s32 v7, v6;
	v15 =	vld.idx.msk [tilespmem:v15+s20+$0x0], $0xffff;
	v16 =	vshrl.u32 v19, $0x12;
	v19 =	vshrl.u32 v19, $0x2  }
0x18e: {  	v7 =	vmul.u32 $0xC2AB2D0B, v10;
	v6 =	vadd.s32 v8, v6;
	v20 =	vld.idx.msk [tilespmem:v20+s20+$0x0], $0xffff;
	v10 =	vand.u32 $0x3FFF, v19  }
0x18f: {  	v6 =	vadd.s32 v13, v6;
	v8 =	vld.idx.msk [tilespmem:v18+s20+$0x0], $0xffff;
	v18 =	vshrl.u32 v12, $0x12;
	v12 =	vshrl.u32 v12, $0x2  }
0x190: {  	v13 =	vshrl.u32 v9, $0xF;
	v6 =	vadd.s32 v14, v6;
	v19 =	vld.idx.msk [tilespmem:v21+s20+$0x0], $0xffff;
	v12 =	vand.u32 $0x3FFF, v12  }
0x191: {  	v14 =	vshrl.u32 v7, $0x12;
	v7 =	vshrl.u32 v7, $0x2;
	v6 =	vadd.s32 v17, v6;
	v21 =	vld.idx.msk [tilespmem:v23+s20+$0x0], $0xffff  }
0x192: {  	v9 =	vxor.u32 v9, v13;
	v17 =	vand.u32 $0x3FFF, v7;
	v6 =	vadd.s32 v11, v6;
	v16 =	vld.idx.msk [tilespmem:v16+s20+$0x0], $0xffff  }
0x193: {  	v11 =	vshrl.u32 v9, $0x2;
	v6 =	vadd.s32 v15, v6;
	v23 =	vld.idx.msk [tilespmem:v10+s20+$0x0], $0xffff;
	v10 =	vmul.u32 $0xE9C9F6AD, v9  }
0x194: {  	v15 =	vmul.u32 $0x73640197, v9;
	v11 =	vand.u32 $0x3FFF, v11;
	v13 =	vadd.s32 v20, v6;
	v7 =	vld.idx.msk [tilespmem:v18+s20+$0x0], $0xffff  }
.Ltmp5:
0x195: {  	v18 =	vadd.s32 v8, v13;
	v6 =	vld.idx.msk [tilespmem:v12+s20+$0x0], $0xffff;
	v12 =	vshrl.u32 v10, $0x12;
	v10 =	vshrl.u32 v10, $0x2;
	(pc) =	sbr.rel @p3 .LBB2_12-.Ltmp5, $4  }
0x196: {  	v20 =	vmul.u32 $0xC2AB2D0B, v9;
	v8 =	vld.idx.msk [tilespmem:v14+s20+$0x0], $0xffff;
	v13 =	vand.u32 $0x3FFF, v10;
	v10 =	vadd.s32 v19, v18  }
0x197: {  	v14 =	vshrl.u32 v15, $0x12;
	v15 =	vshrl.u32 v15, $0x2;
	v9 =	vld.idx.msk [tilespmem:v17+s20+$0x0], $0xffff;
	v17 =	vadd.s32 v21, v10  }
0x198: {  	v15 =	vand.u32 $0x3FFF, v15;
	v10 =	vld.idx.msk [tilespmem:v22+s20+$0x0], $0xffff;
	v18 =	vadd.s32 v16, v17  }
0x199: {  	s28 =	sadd.s32 $0x40, s28;
	v16 =	vshrl.u32 v20, $0x12;
	v17 =	vshrl.u32 v20, $0x2;
	v11 =	vld.idx.msk [tilespmem:v11+s20+$0x0], $0xffff;
	v18 =	vadd.s32 v23, v18  }
0x19a: {  	_ =	sdelay $0x2  }
0x19b: {  	v7 =	vadd.s32 v7, v18  }
0x19c: {  	v12 =	vld.idx.msk [tilespmem:v12+s20+$0x0], $0xffff;
	v17 =	vand.u32 $0x3FFF, v17;
	v6 =	vadd.s32 v6, v7  }
0x19d: {  	v7 =	vld.idx.msk [tilespmem:v13+s20+$0x0], $0xffff;
	v6 =	vadd.s32 v8, v6  }
0x19e: {  	v60 =	vld.idx.msk [tilespmem:v14+s20+$0x0], $0xffff;
	v6 =	vadd.s32 v9, v6  }
0x19f: {  	v61 =	vld.idx.msk [tilespmem:v15+s20+$0x0], $0xffff;
	v6 =	vadd.s32 v10, v6  }
0x1a0: {  	v62 =	vld.idx.msk [tilespmem:v16+s20+$0x0], $0xffff;
	v6 =	vadd.s32 v11, v6  }
0x1a1: {  	v63 =	vld.idx.msk [tilespmem:v17+s20+$0x0], $0xffff;
	v6 =	vadd.s32 v12, v6  }
0x1a2: {  	v6 =	vadd.s32 v7, v6  }
0x1a3: {  	v6 =	vadd.s32 v60, v6  }
0x1a4: {  	v6 =	vadd.s32 v61, v6  }
0x1a5: {  	s25 =	sadd.s32 $0x1, s25;
	v6 =	vadd.s32 v62, v6  }
0x1a6: {  	p3 =	sne.s32 s25, s14;
	v6 =	vadd.s32 v63, v6  }
.Ltmp6:
0x1a7: {  	[tilespmem:$0x16200] =	vst v6;
	(pc) =	sbr.rel @p3 .LBB2_1-.Ltmp6, $4  }
0x1a8: {  	[hbm4b:s13+s2] =	stream.linear.scatter [tilespmem:s24], [sflag:$0x1], $0x80, $0x38;
	[tilespmem:$0x1E320] =	vst v63  }
0x1a9: {  	_ =	swait.ge [sflag:s18], $0x80  }
0x1aa: {  	[sflag:s18] =	ssyncset.done $0x0  }
0x1ab: {  	[sflag:s18] =	ssyncadd.s32 $0xFFFFFF80  }
0x1ac: {  	_ =	sfence.sel $0x180000  }
0x1ad: {  	[bflag:$0x0] =	sbarrier.arrive $0xFFFF  }
0x1ae: {  	_ =	strace $0x90000047  }
0x1af: {  	s0 =	stileid.u32;
	[bflag:$0x2] =	sbarrier.arrive $0xFFFF  }
0x1b0: {  	p0 =	sne.s32 s0, $0x0;
	s0 =	rddreg [dreg:$0x3]  }
0x1b1: {  	s0 =	sadd.s32 @!p0 $0x100000, s0  }
0x1b2: {  	[sflag:s0] =	ssyncadd.tile.s32 @!p0 $0x1;
	_ =	shalt  }
.Lfunc_end2:
_tile_overlayer_lowered:
.L_overlay_start_2:
0x1b3: {  	(tag) =	ssettag $0x2  }
0x1b4: {  	s0 =	rddreg [dreg:$0x0];
	s2 =	stileid.u32  }
0x1b5: {  	s1 =	rddreg [dreg:$0x1];
	p0 =	sne.s32 s2, $0x0  }
0x1b6: {  	s3 =	rddreg [dreg:$0x2];
	[bflag:$0x3] =	sbarrier.arrive $0xFFFF;
	s2 =	simm.s32 @!p0 $0x1C01  }
0x1b7: {  	[timem:s3], [sflag:s2] =	dma.local @!p0 [hbm:s0], s1  }
0x1b8: {  	s0 =	simm.s32 @!p0 $0x1  }
0x1b9: {  	_ =	swait.ge @!p0 [sflag:s0], s1  }
0x1ba: {  	s1 =	ssub.s32 @!p0 $0x0, s1;
	[sflag:s0] =	ssyncset.done @!p0 $0x0  }
0x1bb: {  	[sflag:s0] =	ssyncadd.s32 @!p0 s1  }
0x1bc: {  	[bflag:$0x3] =	sbarrier.arrive $0xFFFF  }
0x1bd: {  	_ =	shalt  }

</sc_bundles>
